<compile_context>
chip_gen: v7x
topology: tpu7x:2x2x1
jax: 0.10.2.dev20260603
libtpu: 0.0.44.dev20260713+nightly
codegen_flags: <defaults>
</compile_context>

<pallas_src>
import functools

import jax
import jax.numpy as jnp
from jax import lax
from jax.experimental import pallas as pl
from jax.experimental.pallas import tpu as pltpu
from jax.experimental.pallas import tpu_sc as plsc

_VOCAB = 100000
_EMB = 64
_NCLS = 4
_B = 4096
_N = 204800

_NC = 2
_NS = 16
_NW = _NC * _NS
_CHUNK = _N // _NW
_SUB = 256
_NSUB = _CHUNK // _SUB
_BPW = _B // _NW
_BPT = _B // _NS


def _seg_body(off_h, seg_h, inv_h, off_v, seg1, inv_v, osem):
    cid = lax.axis_index("c")
    sid = lax.axis_index("s")
    wid = sid * _NC + cid
    s0 = wid * _CHUNK

    odesc = pltpu.async_copy(off_h, off_v.at[pl.ds(0, _B)], osem)

    z16 = jnp.zeros((16,), jnp.int32)

    def _zseg(k, c):
        for t in range(4):
            seg1[pl.ds(k * 64 + t * 16, 16)] = z16
        return c
    lax.fori_loop(0, _CHUNK // 64, _zseg, 0)

    odesc.wait()
    off_v[pl.ds(_B, 16)] = jnp.full((16,), _N, jnp.int32)

    ones16 = jnp.ones((16,), jnp.int32)

    def _mark(i, acc):
        a = acc
        for t in range(4):
            ov = off_v[pl.ds(i * 64 + t * 16, 16)]
            p = ov - s0
            m = (p >= 0) & (p < _CHUNK)
            plsc.store_scatter(seg1, [p], ones16, mask=m)
            a = a + jnp.where(ov < s0, 1, 0)
        return a

    acc = lax.fori_loop(0, _B // 64, _mark, jnp.zeros((16,), jnp.int32))
    base = jnp.sum(acc)

    def _cum(k, carry):
        vs = [seg1[pl.ds(k * 64 + t * 16, 16)] for t in range(4)]
        css = [jnp.cumsum(v) for v in vs]
        sums = [jnp.sum(v) for v in vs]
        c = carry
        for t in range(4):
            seg1[pl.ds(k * 64 + t * 16, 16)] = css[t] + c
            c = c + sums[t]
        return c

    lax.fori_loop(0, _CHUNK // 64, _cum, base - 1)

    wdesc = pltpu.async_copy(seg1, seg_h.at[pl.ds(s0, _CHUNK)], osem)

    bbase = wid * _BPW
    for k in range(_BPW // 16):
        a = off_v[pl.ds(bbase + k * 16, 16)]
        nx = off_v[pl.ds(bbase + k * 16 + 1, 16)]
        inv_v[pl.ds(k * 16, 16)] = 1.0 / (nx - a).astype(jnp.float32)

    wdesc.wait()
    pltpu.sync_copy(inv_v, inv_h.at[pl.ds(bbase, _BPW)])


_seg_call = functools.partial(
    pl.kernel,
    out_type=[
        jax.ShapeDtypeStruct((_N,), jnp.int32),
        jax.ShapeDtypeStruct((_B,), jnp.float32),
    ],
    mesh=plsc.VectorSubcoreMesh(core_axis_name="c", subcore_axis_name="s"),
    compiler_params=pltpu.CompilerParams(needs_layout_passes=False,
                                         use_tc_tiling_on_sc=False),
    scratch_types=[
        pltpu.VMEM((_B + 16,), jnp.int32),
        pltpu.VMEM((_CHUNK,), jnp.int32),
        pltpu.VMEM((_BPW,), jnp.float32),
        pltpu.SemaphoreType.DMA,
    ],
)(_seg_body)


def _acc_body(text_h, seg_h, inv_h, tab_h, s_h,
              text1, seg1, rows_a, rows_b, rows_c, rows_d, inv_v, acc_sh,
              gsa, gsb, gsc, gsd, ssa, ssb, ssc, ssd, osem):
    cid = lax.axis_index("c")
    sid = lax.axis_index("s")
    wid = sid * _NC + cid
    s0 = wid * _CHUNK
    tb = sid * _BPT
    bufs = (rows_a, rows_b, rows_c, rows_d)
    gsems = (gsa, gsb, gsc, gsd)
    ssems = (ssa, ssb, ssc, ssd)

    tdesc = pltpu.async_copy(text_h.at[pl.ds(s0, _CHUNK)], text1, gsa)
    sdesc = pltpu.async_copy(seg_h.at[pl.ds(s0, _CHUNK)], seg1, gsb)
    idesc = pltpu.async_copy(inv_h.at[pl.ds(tb, _BPT)], inv_v, osem)

    zf16 = jnp.zeros((16,), jnp.float32)

    def _zrows(k, c):
        for t in range(4):
            rows_a[k, pl.ds(t * 16, 16)] = zf16
        return c
    lax.fori_loop(0, _SUB, _zrows, 0)
    for st in range(_BPT // _SUB):
        pltpu.sync_copy(rows_a, acc_sh.at[pl.ds(tb + st * _SUB, _SUB)])

    tdesc.wait()
    sdesc.wait()
    idesc.wait()
    plsc.subcore_barrier()

    def _fire_gather(j, t):
        return pltpu.async_copy(tab_h.at[text1.at[pl.ds(j * _SUB, _SUB)]],
                                bufs[t], gsems[t])

    def _wait_gather(j, t):
        pltpu.make_async_copy(tab_h.at[text1.at[pl.ds(j * _SUB, _SUB)]],
                              bufs[t], gsems[t]).wait()

    def _fire_scatter(j, t):
        return pltpu.async_copy(bufs[t],
                                acc_sh.at[seg1.at[pl.ds(j * _SUB, _SUB)]],
                                ssems[t], add=True)

    def _wait_scatter(j, t):
        pltpu.make_async_copy(bufs[t],
                              acc_sh.at[seg1.at[pl.ds(j * _SUB, _SUB)]],
                              ssems[t]).wait()

    for t in range(4):
        _fire_gather(t, t)

    def _main(g, c):
        j0 = g * 4
        for t in range(4):
            _wait_gather(j0 + t, t)
            _fire_scatter(j0 + t, t)
        for t in range(4):
            _wait_scatter(j0 + t, t)
            _fire_gather(j0 + 4 + t, t)
        return c

    lax.fori_loop(0, _NSUB // 4 - 1, _main, 0)

    jl = (_NSUB // 4 - 1) * 4
    for t in range(4):
        _wait_gather(jl + t, t)
        _fire_scatter(jl + t, t)
    for t in range(_NSUB - jl - 4):
        _wait_scatter(jl + t, t)
        _fire_gather(jl + 4 + t, t)
    for t in range(_NSUB - jl - 4, 4):
        _wait_scatter(jl + t, t)
    for t in range(_NSUB - jl - 4):
        _wait_gather(jl + 4 + t, t)
        _fire_scatter(jl + 4 + t, t)
    for t in range(_NSUB - jl - 4):
        _wait_scatter(jl + 4 + t, t)
    plsc.subcore_barrier()

    def _scale(buf, half):
        def _row(r, c):
            gv = plsc.load_gather(inv_v, [jnp.full((16,), half * _SUB + r,
                                                   jnp.int32)])
            for t in range(4):
                v = buf[r, pl.ds(t * 16, 16)]
                buf[r, pl.ds(t * 16, 16)] = v * gv
            return c
        lax.fori_loop(0, _SUB, _row, 0)

    wdescs = []
    for st in range(_BPT // _SUB):
        pltpu.sync_copy(acc_sh.at[pl.ds(tb + st * _SUB, _SUB)], bufs[st])
        _scale(bufs[st], st)
        wdescs.append(pltpu.async_copy(
            bufs[st], s_h.at[cid, pl.ds(tb + st * _SUB, _SUB)], osem))
    for d in wdescs:
        d.wait()


_acc_call = functools.partial(
    pl.kernel,
    out_type=[
        jax.ShapeDtypeStruct((_NC, _B, _EMB), jnp.float32),
    ],
    mesh=plsc.VectorSubcoreMesh(core_axis_name="c", subcore_axis_name="s"),
    compiler_params=pltpu.CompilerParams(needs_layout_passes=False,
                                         use_tc_tiling_on_sc=False),
    scratch_types=[
        pltpu.VMEM((_CHUNK,), jnp.int32),
        pltpu.VMEM((_CHUNK,), jnp.int32),
        pltpu.VMEM((_SUB, _EMB), jnp.float32),
        pltpu.VMEM((_SUB, _EMB), jnp.float32),
        pltpu.VMEM((_SUB, _EMB), jnp.float32),
        pltpu.VMEM((_SUB, _EMB), jnp.float32),
        pltpu.VMEM((_BPT,), jnp.float32),
        pltpu.VMEM_SHARED((_B, _EMB), jnp.float32),
        pltpu.SemaphoreType.DMA,
        pltpu.SemaphoreType.DMA,
        pltpu.SemaphoreType.DMA,
        pltpu.SemaphoreType.DMA,
        pltpu.SemaphoreType.DMA,
        pltpu.SemaphoreType.DMA,
        pltpu.SemaphoreType.DMA,
        pltpu.SemaphoreType.DMA,
        pltpu.SemaphoreType.DMA,
    ],
)(_acc_body)


def _tc_body(s_ref, w_ref, b_ref, o_ref):
    pooled = s_ref[0] + s_ref[1]
    o_ref[...] = (
        lax.dot_general(w_ref[...], pooled, (((1,), (1,)), ((), ())),
                        preferred_element_type=jnp.float32)
        + b_ref[...]
    )


_tc_call = pl.pallas_call(
    _tc_body,
    out_shape=jax.ShapeDtypeStruct((_NCLS, _B), jnp.float32),
)


def kernel(text, offsets, emb_table, W, b):
    seg, invc = _seg_call(offsets)
    (s_parts,) = _acc_call(text, seg, invc, emb_table)
    ot = _tc_call(s_parts, W, b.reshape(_NCLS, 1))
    return ot.T

# --- scband reference (transcript-rebuilt; emitter-appended) ---
"""Pipeline reference for scband-text-classifier-59493886984576 (READ-ONLY COPY).

The authoritative reference and input builder live on the scoring server;
editing this copy changes nothing except your own understanding.
"""

import jax, jax.numpy as jnp
import numpy as np

VOCAB = 100000
EMB = 64
NCLS = 4
B = 4096
N = 204800


def setup_inputs(seed: int = 0) -> dict:
    key = jax.random.key(seed)
    k1, k2, k3 = jax.random.split(key, 3)
    text = jax.random.randint(k1, (N,), 0, VOCAB, dtype=jnp.int32)
    # offsets: sorted, unique, first element 0 so no segment is empty (matches
    # a well-formed EmbeddingBag-style offsets tensor; avoids NaN from empty bags)
    rng = np.random.default_rng(0)
    off = np.sort(rng.choice(N, size=B, replace=False))
    off[0] = 0
    offsets = jnp.asarray(off, dtype=jnp.int32)
    emb_table = jax.random.normal(k2, (VOCAB, EMB), dtype=jnp.float32)
    W = jax.random.normal(k3, (NCLS, EMB), dtype=jnp.float32) / jnp.sqrt(EMB)
    b = jnp.zeros((NCLS,), dtype=jnp.float32)
    return {"text": text, "offsets": offsets, "emb_table": emb_table, "W": W, "b": b}


def reference(text, offsets, emb_table, W, b):
    # emb = self.emb(text)
    emb = jnp.take(emb_table, text, axis=0)  # [N, EMB]
    # per-bag mean pooling: segment i covers [offsets[i], offsets[i+1]) (last bag to end)
    seg_ids = jnp.searchsorted(offsets, jnp.arange(N, dtype=offsets.dtype), side="right") - 1  # [N]
    sums = jax.ops.segment_sum(emb, seg_ids, num_segments=B)  # [B, EMB]
    counts = jax.ops.segment_sum(jnp.ones((N,), dtype=jnp.float32), seg_ids, num_segments=B)  # [B]
    pooled = sums / counts[:, None]
    # self.fc(pooled)
    return pooled @ W.T + b

if __name__ == "__main__":
    import jax
    _d = setup_inputs()
    print(jax.jit(kernel)(*tuple(_d.values())))

</pallas_src>

<mosaic_0001>
#map = affine_map<(d0, d1) -> (0)>
module attributes {stable_mosaic.version = 14 : i64} {
  func.func @_seg_body(%arg0: i32, %arg1: i32, %arg2: memref<4096xi32, #tpu.memory_space<hbm>>, %arg3: memref<204800xi32, #tpu.memory_space<hbm>>, %arg4: memref<4096xf32, #tpu.memory_space<hbm>>, %arg5: memref<4112xi32, #tpu.memory_space<vmem>>, %arg6: memref<6400xi32, #tpu.memory_space<vmem>>, %arg7: memref<128xf32, #tpu.memory_space<vmem>>, %arg8: memref<!tpu.dma_semaphore, #tpu.memory_space<semaphore_mem>>) attributes {dimension_semantics = [#tpu.dimension_semantics<core_parallel>, #tpu.dimension_semantics<subcore_parallel>], iteration_bounds = array<i64: 2, 16>, scalar_prefetch = 0 : i64, scratch_operands = 4 : i64, tpu.core_type = #tpu.core_type<sc_vector_subcore>, window_params = [{transform_indices = #map}, {transform_indices = #map}, {transform_indices = #map}]} {
    %mul3A = arith.constant 2 : i32
    %mul3A_0 = arith.muli %arg1, %mul3A : i32
    %add3A = arith.addi %mul3A_0, %arg0 : i32
    %mul3A_1 = arith.constant 6400 : i32
    %mul3A_2 = arith.muli %add3A, %mul3A_1 : i32
    %dma_start3A = arith.constant 0 : i32
    %dma_start3A_3 = tpu.memref_slice %arg5[%dma_start3A] : memref<4112xi32, #tpu.memory_space<vmem>> -> memref<4096xi32, #tpu.memory_space<vmem>>
    %dma_start3A_4 = arith.constant 0 : i32
    %dma_start3A_5 = tpu.memref_slice %arg5[%dma_start3A_4] : memref<4112xi32, #tpu.memory_space<vmem>> -> memref<4096xi32, #tpu.memory_space<vmem>>
    tpu.enqueue_dma source(%arg2 : memref<4096xi32, #tpu.memory_space<hbm>>) target(%dma_start3A_5 : memref<4096xi32, #tpu.memory_space<vmem>>) target_semaphore(%arg8 : memref<!tpu.dma_semaphore, #tpu.memory_space<semaphore_mem>>)
    %broadcast_in_dim3A = arith.constant 0 : i32
    %broadcast_in_dim3A_6 = vector.broadcast %broadcast_in_dim3A : i32 to vector<16xi32>
    %scan3A = arith.constant 0 : i32
    %scan3A_7 = arith.constant 0 : i32
    %scan3A_8 = arith.constant 100 : i32
    %scan3A_9 = arith.addi %scan3A_7, %scan3A_8 : i32
    %scan3A_10 = arith.constant 1 : i32
    scf.for %scan3A_177 = %scan3A_7 to %scan3A_9 step %scan3A_10  : i32 {
      %mul3A_178 = arith.constant 64 : i32
      %mul3A_179 = arith.muli %scan3A_177, %mul3A_178 : i32
      %add3A_180 = arith.constant 0 : i32
      %add3A_181 = arith.addi %mul3A_179, %add3A_180 : i32
      %swap3A_182 = arith.index_cast %add3A_181 : i32 to index
      %swap3A_183 = tpu.vector_load %arg6[%swap3A_182] {strides = array<i32>} : memref<6400xi32, #tpu.memory_space<vmem>>, vector<16xi32>,
      tpu.vector_store %arg6[%swap3A_182], %broadcast_in_dim3A_6 {strides = array<i32>} : memref<6400xi32, #tpu.memory_space<vmem>>, vector<16xi32>,
      %mul3A_184 = arith.constant 64 : i32
      %mul3A_185 = arith.muli %scan3A_177, %mul3A_184 : i32
      %add3A_186 = arith.constant 16 : i32
      %add3A_187 = arith.addi %mul3A_185, %add3A_186 : i32
      %swap3A_188 = arith.index_cast %add3A_187 : i32 to index
      %swap3A_189 = tpu.vector_load %arg6[%swap3A_188] {strides = array<i32>} : memref<6400xi32, #tpu.memory_space<vmem>>, vector<16xi32>,
      tpu.vector_store %arg6[%swap3A_188], %broadcast_in_dim3A_6 {strides = array<i32>} : memref<6400xi32, #tpu.memory_space<vmem>>, vector<16xi32>,
      %mul3A_190 = arith.constant 64 : i32
      %mul3A_191 = arith.muli %scan3A_177, %mul3A_190 : i32
      %add3A_192 = arith.constant 32 : i32
      %add3A_193 = arith.addi %mul3A_191, %add3A_192 : i32
      %swap3A_194 = arith.index_cast %add3A_193 : i32 to index
      %swap3A_195 = tpu.vector_load %arg6[%swap3A_194] {strides = array<i32>} : memref<6400xi32, #tpu.memory_space<vmem>>, vector<16xi32>,
      tpu.vector_store %arg6[%swap3A_194], %broadcast_in_dim3A_6 {strides = array<i32>} : memref<6400xi32, #tpu.memory_space<vmem>>, vector<16xi32>,
      %mul3A_196 = arith.constant 64 : i32
      %mul3A_197 = arith.muli %scan3A_177, %mul3A_196 : i32
      %add3A_198 = arith.constant 48 : i32
      %add3A_199 = arith.addi %mul3A_197, %add3A_198 : i32
      %swap3A_200 = arith.index_cast %add3A_199 : i32 to index
      %swap3A_201 = tpu.vector_load %arg6[%swap3A_200] {strides = array<i32>} : memref<6400xi32, #tpu.memory_space<vmem>>, vector<16xi32>,
      tpu.vector_store %arg6[%swap3A_200], %broadcast_in_dim3A_6 {strides = array<i32>} : memref<6400xi32, #tpu.memory_space<vmem>>, vector<16xi32>,
    }
    %scan3A_11 = arith.constant 100 : i32
    %dma_wait3A = arith.constant 0 : i32
    %dma_wait3A_12 = tpu.memref_slice %arg5[%dma_wait3A] : memref<4112xi32, #tpu.memory_space<vmem>> -> memref<4096xi32, #tpu.memory_space<vmem>>
    %dma_wait3A_13 = arith.constant 0 : i32
    %dma_wait3A_14 = tpu.memref_slice %arg5[%dma_wait3A_13] : memref<4112xi32, #tpu.memory_space<vmem>> -> memref<4096xi32, #tpu.memory_space<vmem>>
    tpu.wait_dma2 semaphore(%arg8 : memref<!tpu.dma_semaphore, #tpu.memory_space<semaphore_mem>>) src(%arg2 : memref<4096xi32, #tpu.memory_space<hbm>>) dst(%dma_wait3A_14 : memref<4096xi32, #tpu.memory_space<vmem>>)
    %broadcast_in_dim3A_15 = arith.constant 204800 : i32
    %broadcast_in_dim3A_16 = vector.broadcast %broadcast_in_dim3A_15 : i32 to vector<16xi32>
    %swap3A = arith.constant 4096 : index
    %swap3A_17 = tpu.vector_load %arg5[%swap3A] {strides = array<i32>} : memref<4112xi32, #tpu.memory_space<vmem>>, vector<16xi32>,
    tpu.vector_store %arg5[%swap3A], %broadcast_in_dim3A_16 {strides = array<i32>} : memref<4112xi32, #tpu.memory_space<vmem>>, vector<16xi32>,
    %broadcast_in_dim3A_18 = arith.constant 1 : i32
    %broadcast_in_dim3A_19 = vector.broadcast %broadcast_in_dim3A_18 : i32 to vector<16xi32>
    %broadcast_in_dim3A_20 = arith.constant 0 : i32
    %broadcast_in_dim3A_21 = vector.broadcast %broadcast_in_dim3A_20 : i32 to vector<16xi32>
    %scan3A_22 = arith.constant 0 : i32
    %scan3A_23 = arith.constant 64 : i32
    %scan3A_24 = arith.addi %scan3A_22, %scan3A_23 : i32
    %scan3A_25 = arith.constant 1 : i32
    %scan3A_26 = scf.for %scan3A_177 = %scan3A_22 to %scan3A_24 step %scan3A_25 iter_args(%scan3A_178 = %broadcast_in_dim3A_21) -> (vector<16xi32>)  : i32 {
      %mul3A_179 = arith.constant 64 : i32
      %mul3A_180 = arith.muli %scan3A_177, %mul3A_179 : i32
      %add3A_181 = arith.constant 0 : i32
      %add3A_182 = arith.addi %mul3A_180, %add3A_181 : i32
      %get3A_183 = arith.index_cast %add3A_182 : i32 to index
      %get3A_184 = tpu.vector_load %arg5[%get3A_183] {strides = array<i32>} : memref<4112xi32, #tpu.memory_space<vmem>>, vector<16xi32>,
      %sub3A_185 = vector.broadcast %mul3A_2 : i32 to vector<16xi32>
      %sub3A_186 = arith.subi %get3A_184, %sub3A_185 : vector<16xi32>
      %ge3A = arith.constant 0 : i32
      %ge3A_187 = vector.broadcast %ge3A : i32 to vector<16xi32>
      %ge3A_188 = arith.cmpi sge, %sub3A_186, %ge3A_187 : vector<16xi32>
      %lt3A = arith.constant 6400 : i32
      %lt3A_189 = vector.broadcast %lt3A : i32 to vector<16xi32>
      %lt3A_190 = arith.cmpi slt, %sub3A_186, %lt3A_189 : vector<16xi32>
      %and3A = arith.andi %ge3A_188, %lt3A_190 : vector<16xi1>
      tpu.vector_store_idx %arg6[%sub3A_186], %broadcast_in_dim3A_19 masked %and3A : memref<6400xi32, #tpu.memory_space<vmem>>[vector<16xi32>], vector<16xi32>, vector<16xi1>
      %lt3A_191 = vector.broadcast %mul3A_2 : i32 to vector<16xi32>
      %lt3A_192 = arith.cmpi slt, %get3A_184, %lt3A_191 : vector<16xi32>
      %jit3A = arith.constant 1 : i32
      %jit3A_193 = arith.constant 0 : i32
      %broadcast_in_dim3A_194 = vector.broadcast %jit3A : i32 to vector<16xi32>
      %broadcast_in_dim3A_195 = vector.broadcast %jit3A_193 : i32 to vector<16xi32>
      %select_n3A = arith.select %lt3A_192, %broadcast_in_dim3A_194, %broadcast_in_dim3A_195 : vector<16xi1>, vector<16xi32>
      %add3A_196 = arith.addi %scan3A_178, %select_n3A : vector<16xi32>
      %mul3A_197 = arith.constant 64 : i32
      %mul3A_198 = arith.muli %scan3A_177, %mul3A_197 : i32
      %add3A_199 = arith.constant 16 : i32
      %add3A_200 = arith.addi %mul3A_198, %add3A_199 : i32
      %get3A_201 = arith.index_cast %add3A_200 : i32 to index
      %get3A_202 = tpu.vector_load %arg5[%get3A_201] {strides = array<i32>} : memref<4112xi32, #tpu.memory_space<vmem>>, vector<16xi32>,
      %sub3A_203 = vector.broadcast %mul3A_2 : i32 to vector<16xi32>
      %sub3A_204 = arith.subi %get3A_202, %sub3A_203 : vector<16xi32>
      %ge3A_205 = arith.constant 0 : i32
      %ge3A_206 = vector.broadcast %ge3A_205 : i32 to vector<16xi32>
      %ge3A_207 = arith.cmpi sge, %sub3A_204, %ge3A_206 : vector<16xi32>
      %lt3A_208 = arith.constant 6400 : i32
      %lt3A_209 = vector.broadcast %lt3A_208 : i32 to vector<16xi32>
      %lt3A_210 = arith.cmpi slt, %sub3A_204, %lt3A_209 : vector<16xi32>
      %and3A_211 = arith.andi %ge3A_207, %lt3A_210 : vector<16xi1>
      tpu.vector_store_idx %arg6[%sub3A_204], %broadcast_in_dim3A_19 masked %and3A_211 : memref<6400xi32, #tpu.memory_space<vmem>>[vector<16xi32>], vector<16xi32>, vector<16xi1>
      %lt3A_212 = vector.broadcast %mul3A_2 : i32 to vector<16xi32>
      %lt3A_213 = arith.cmpi slt, %get3A_202, %lt3A_212 : vector<16xi32>
      %jit3A_214 = arith.constant 1 : i32
      %jit3A_215 = arith.constant 0 : i32
      %broadcast_in_dim3A_216 = vector.broadcast %jit3A_214 : i32 to vector<16xi32>
      %broadcast_in_dim3A_217 = vector.broadcast %jit3A_215 : i32 to vector<16xi32>
      %select_n3A_218 = arith.select %lt3A_213, %broadcast_in_dim3A_216, %broadcast_in_dim3A_217 : vector<16xi1>, vector<16xi32>
      %add3A_219 = arith.addi %add3A_196, %select_n3A_218 : vector<16xi32>
      %mul3A_220 = arith.constant 64 : i32
      %mul3A_221 = arith.muli %scan3A_177, %mul3A_220 : i32
      %add3A_222 = arith.constant 32 : i32
      %add3A_223 = arith.addi %mul3A_221, %add3A_222 : i32
      %get3A_224 = arith.index_cast %add3A_223 : i32 to index
      %get3A_225 = tpu.vector_load %arg5[%get3A_224] {strides = array<i32>} : memref<4112xi32, #tpu.memory_space<vmem>>, vector<16xi32>,
      %sub3A_226 = vector.broadcast %mul3A_2 : i32 to vector<16xi32>
      %sub3A_227 = arith.subi %get3A_225, %sub3A_226 : vector<16xi32>
      %ge3A_228 = arith.constant 0 : i32
      %ge3A_229 = vector.broadcast %ge3A_228 : i32 to vector<16xi32>
      %ge3A_230 = arith.cmpi sge, %sub3A_227, %ge3A_229 : vector<16xi32>
      %lt3A_231 = arith.constant 6400 : i32
      %lt3A_232 = vector.broadcast %lt3A_231 : i32 to vector<16xi32>
      %lt3A_233 = arith.cmpi slt, %sub3A_227, %lt3A_232 : vector<16xi32>
      %and3A_234 = arith.andi %ge3A_230, %lt3A_233 : vector<16xi1>
      tpu.vector_store_idx %arg6[%sub3A_227], %broadcast_in_dim3A_19 masked %and3A_234 : memref<6400xi32, #tpu.memory_space<vmem>>[vector<16xi32>], vector<16xi32>, vector<16xi1>
      %lt3A_235 = vector.broadcast %mul3A_2 : i32 to vector<16xi32>
      %lt3A_236 = arith.cmpi slt, %get3A_225, %lt3A_235 : vector<16xi32>
      %jit3A_237 = arith.constant 1 : i32
      %jit3A_238 = arith.constant 0 : i32
      %broadcast_in_dim3A_239 = vector.broadcast %jit3A_237 : i32 to vector<16xi32>
      %broadcast_in_dim3A_240 = vector.broadcast %jit3A_238 : i32 to vector<16xi32>
      %select_n3A_241 = arith.select %lt3A_236, %broadcast_in_dim3A_239, %broadcast_in_dim3A_240 : vector<16xi1>, vector<16xi32>
      %add3A_242 = arith.addi %add3A_219, %select_n3A_241 : vector<16xi32>
      %mul3A_243 = arith.constant 64 : i32
      %mul3A_244 = arith.muli %scan3A_177, %mul3A_243 : i32
      %add3A_245 = arith.constant 48 : i32
      %add3A_246 = arith.addi %mul3A_244, %add3A_245 : i32
      %get3A_247 = arith.index_cast %add3A_246 : i32 to index
      %get3A_248 = tpu.vector_load %arg5[%get3A_247] {strides = array<i32>} : memref<4112xi32, #tpu.memory_space<vmem>>, vector<16xi32>,
      %sub3A_249 = vector.broadcast %mul3A_2 : i32 to vector<16xi32>
      %sub3A_250 = arith.subi %get3A_248, %sub3A_249 : vector<16xi32>
      %ge3A_251 = arith.constant 0 : i32
      %ge3A_252 = vector.broadcast %ge3A_251 : i32 to vector<16xi32>
      %ge3A_253 = arith.cmpi sge, %sub3A_250, %ge3A_252 : vector<16xi32>
      %lt3A_254 = arith.constant 6400 : i32
      %lt3A_255 = vector.broadcast %lt3A_254 : i32 to vector<16xi32>
      %lt3A_256 = arith.cmpi slt, %sub3A_250, %lt3A_255 : vector<16xi32>
      %and3A_257 = arith.andi %ge3A_253, %lt3A_256 : vector<16xi1>
      tpu.vector_store_idx %arg6[%sub3A_250], %broadcast_in_dim3A_19 masked %and3A_257 : memref<6400xi32, #tpu.memory_space<vmem>>[vector<16xi32>], vector<16xi32>, vector<16xi1>
      %lt3A_258 = vector.broadcast %mul3A_2 : i32 to vector<16xi32>
      %lt3A_259 = arith.cmpi slt, %get3A_248, %lt3A_258 : vector<16xi32>
      %jit3A_260 = arith.constant 1 : i32
      %jit3A_261 = arith.constant 0 : i32
      %broadcast_in_dim3A_262 = vector.broadcast %jit3A_260 : i32 to vector<16xi32>
      %broadcast_in_dim3A_263 = vector.broadcast %jit3A_261 : i32 to vector<16xi32>
      %select_n3A_264 = arith.select %lt3A_259, %broadcast_in_dim3A_262, %broadcast_in_dim3A_263 : vector<16xi1>, vector<16xi32>
      %add3A_265 = arith.addi %add3A_242, %select_n3A_264 : vector<16xi32>
      scf.yield %add3A_265 : vector<16xi32>
    }
    %scan3A_27 = arith.constant 64 : i32
    %reduce_sum3A = arith.constant true
    %reduce_sum3A_28 = vector.broadcast %reduce_sum3A : i1 to vector<16xi1>
    %reduce_sum3A_29 = tpu.scan <sum>, %scan3A_26 masked %reduce_sum3A_28 : vector<16xi32>, vector<16xi1> -> vector<16xi32>
    %reduce_sum3A_30 = vector.extract %reduce_sum3A_29[15] : i32 from vector<16xi32>
    %sub3A = arith.constant 1 : i32
    %sub3A_31 = arith.subi %reduce_sum3A_30, %sub3A : i32
    %scan3A_32 = arith.constant 0 : i32
    %scan3A_33 = arith.constant 100 : i32
    %scan3A_34 = arith.addi %scan3A_32, %scan3A_33 : i32
    %scan3A_35 = arith.constant 1 : i32
    %scan3A_36 = scf.for %scan3A_177 = %scan3A_32 to %scan3A_34 step %scan3A_35 iter_args(%scan3A_178 = %sub3A_31) -> (i32)  : i32 {
      %mul3A_179 = arith.constant 64 : i32
      %mul3A_180 = arith.muli %scan3A_177, %mul3A_179 : i32
      %add3A_181 = arith.constant 0 : i32
      %add3A_182 = arith.addi %mul3A_180, %add3A_181 : i32
      %get3A_183 = arith.index_cast %add3A_182 : i32 to index
      %get3A_184 = tpu.vector_load %arg6[%get3A_183] {strides = array<i32>} : memref<6400xi32, #tpu.memory_space<vmem>>, vector<16xi32>,
      %mul3A_185 = arith.constant 64 : i32
      %mul3A_186 = arith.muli %scan3A_177, %mul3A_185 : i32
      %add3A_187 = arith.constant 16 : i32
      %add3A_188 = arith.addi %mul3A_186, %add3A_187 : i32
      %get3A_189 = arith.index_cast %add3A_188 : i32 to index
      %get3A_190 = tpu.vector_load %arg6[%get3A_189] {strides = array<i32>} : memref<6400xi32, #tpu.memory_space<vmem>>, vector<16xi32>,
      %mul3A_191 = arith.constant 64 : i32
      %mul3A_192 = arith.muli %scan3A_177, %mul3A_191 : i32
      %add3A_193 = arith.constant 32 : i32
      %add3A_194 = arith.addi %mul3A_192, %add3A_193 : i32
      %get3A_195 = arith.index_cast %add3A_194 : i32 to index
      %get3A_196 = tpu.vector_load %arg6[%get3A_195] {strides = array<i32>} : memref<6400xi32, #tpu.memory_space<vmem>>, vector<16xi32>,
      %mul3A_197 = arith.constant 64 : i32
      %mul3A_198 = arith.muli %scan3A_177, %mul3A_197 : i32
      %add3A_199 = arith.constant 48 : i32
      %add3A_200 = arith.addi %mul3A_198, %add3A_199 : i32
      %get3A_201 = arith.index_cast %add3A_200 : i32 to index
      %get3A_202 = tpu.vector_load %arg6[%get3A_201] {strides = array<i32>} : memref<6400xi32, #tpu.memory_space<vmem>>, vector<16xi32>,
      %cumsum3A = arith.constant true
      %cumsum3A_203 = vector.broadcast %cumsum3A : i1 to vector<16xi1>
      %cumsum3A_204 = tpu.scan <sum>, %get3A_184 masked %cumsum3A_203 : vector<16xi32>, vector<16xi1> -> vector<16xi32>
      %cumsum3A_205 = arith.constant true
      %cumsum3A_206 = vector.broadcast %cumsum3A_205 : i1 to vector<16xi1>
      %cumsum3A_207 = tpu.scan <sum>, %get3A_190 masked %cumsum3A_206 : vector<16xi32>, vector<16xi1> -> vector<16xi32>
      %cumsum3A_208 = arith.constant true
      %cumsum3A_209 = vector.broadcast %cumsum3A_208 : i1 to vector<16xi1>
      %cumsum3A_210 = tpu.scan <sum>, %get3A_196 masked %cumsum3A_209 : vector<16xi32>, vector<16xi1> -> vector<16xi32>
      %cumsum3A_211 = arith.constant true
      %cumsum3A_212 = vector.broadcast %cumsum3A_211 : i1 to vector<16xi1>
      %cumsum3A_213 = tpu.scan <sum>, %get3A_202 masked %cumsum3A_212 : vector<16xi32>, vector<16xi1> -> vector<16xi32>
      %reduce_sum3A_214 = arith.constant true
      %reduce_sum3A_215 = vector.broadcast %reduce_sum3A_214 : i1 to vector<16xi1>
      %reduce_sum3A_216 = tpu.scan <sum>, %get3A_184 masked %reduce_sum3A_215 : vector<16xi32>, vector<16xi1> -> vector<16xi32>
      %reduce_sum3A_217 = vector.extract %reduce_sum3A_216[15] : i32 from vector<16xi32>
      %reduce_sum3A_218 = arith.constant true
      %reduce_sum3A_219 = vector.broadcast %reduce_sum3A_218 : i1 to vector<16xi1>
      %reduce_sum3A_220 = tpu.scan <sum>, %get3A_190 masked %reduce_sum3A_219 : vector<16xi32>, vector<16xi1> -> vector<16xi32>
      %reduce_sum3A_221 = vector.extract %reduce_sum3A_220[15] : i32 from vector<16xi32>
      %reduce_sum3A_222 = arith.constant true
      %reduce_sum3A_223 = vector.broadcast %reduce_sum3A_222 : i1 to vector<16xi1>
      %reduce_sum3A_224 = tpu.scan <sum>, %get3A_196 masked %reduce_sum3A_223 : vector<16xi32>, vector<16xi1> -> vector<16xi32>
      %reduce_sum3A_225 = vector.extract %reduce_sum3A_224[15] : i32 from vector<16xi32>
      %reduce_sum3A_226 = arith.constant true
      %reduce_sum3A_227 = vector.broadcast %reduce_sum3A_226 : i1 to vector<16xi1>
      %reduce_sum3A_228 = tpu.scan <sum>, %get3A_202 masked %reduce_sum3A_227 : vector<16xi32>, vector<16xi1> -> vector<16xi32>
      %reduce_sum3A_229 = vector.extract %reduce_sum3A_228[15] : i32 from vector<16xi32>
      %add3A_230 = vector.broadcast %scan3A_178 : i32 to vector<16xi32>
      %add3A_231 = arith.addi %cumsum3A_204, %add3A_230 : vector<16xi32>
      %mul3A_232 = arith.constant 64 : i32
      %mul3A_233 = arith.muli %scan3A_177, %mul3A_232 : i32
      %add3A_234 = arith.constant 0 : i32
      %add3A_235 = arith.addi %mul3A_233, %add3A_234 : i32
      %swap3A_236 = arith.index_cast %add3A_235 : i32 to index
      %swap3A_237 = tpu.vector_load %arg6[%swap3A_236] {strides = array<i32>} : memref<6400xi32, #tpu.memory_space<vmem>>, vector<16xi32>,
      tpu.vector_store %arg6[%swap3A_236], %add3A_231 {strides = array<i32>} : memref<6400xi32, #tpu.memory_space<vmem>>, vector<16xi32>,
      %add3A_238 = arith.addi %scan3A_178, %reduce_sum3A_217 : i32
      %add3A_239 = vector.broadcast %add3A_238 : i32 to vector<16xi32>
      %add3A_240 = arith.addi %cumsum3A_207, %add3A_239 : vector<16xi32>
      %mul3A_241 = arith.constant 64 : i32
      %mul3A_242 = arith.muli %scan3A_177, %mul3A_241 : i32
      %add3A_243 = arith.constant 16 : i32
      %add3A_244 = arith.addi %mul3A_242, %add3A_243 : i32
      %swap3A_245 = arith.index_cast %add3A_244 : i32 to index
      %swap3A_246 = tpu.vector_load %arg6[%swap3A_245] {strides = array<i32>} : memref<6400xi32, #tpu.memory_space<vmem>>, vector<16xi32>,
      tpu.vector_store %arg6[%swap3A_245], %add3A_240 {strides = array<i32>} : memref<6400xi32, #tpu.memory_space<vmem>>, vector<16xi32>,
      %add3A_247 = arith.addi %add3A_238, %reduce_sum3A_221 : i32
      %add3A_248 = vector.broadcast %add3A_247 : i32 to vector<16xi32>
      %add3A_249 = arith.addi %cumsum3A_210, %add3A_248 : vector<16xi32>
      %mul3A_250 = arith.constant 64 : i32
      %mul3A_251 = arith.muli %scan3A_177, %mul3A_250 : i32
      %add3A_252 = arith.constant 32 : i32
      %add3A_253 = arith.addi %mul3A_251, %add3A_252 : i32
      %swap3A_254 = arith.index_cast %add3A_253 : i32 to index
      %swap3A_255 = tpu.vector_load %arg6[%swap3A_254] {strides = array<i32>} : memref<6400xi32, #tpu.memory_space<vmem>>, vector<16xi32>,
      tpu.vector_store %arg6[%swap3A_254], %add3A_249 {strides = array<i32>} : memref<6400xi32, #tpu.memory_space<vmem>>, vector<16xi32>,
      %add3A_256 = arith.addi %add3A_247, %reduce_sum3A_225 : i32
      %add3A_257 = vector.broadcast %add3A_256 : i32 to vector<16xi32>
      %add3A_258 = arith.addi %cumsum3A_213, %add3A_257 : vector<16xi32>
      %mul3A_259 = arith.constant 64 : i32
      %mul3A_260 = arith.muli %scan3A_177, %mul3A_259 : i32
      %add3A_261 = arith.constant 48 : i32
      %add3A_262 = arith.addi %mul3A_260, %add3A_261 : i32
      %swap3A_263 = arith.index_cast %add3A_262 : i32 to index
      %swap3A_264 = tpu.vector_load %arg6[%swap3A_263] {strides = array<i32>} : memref<6400xi32, #tpu.memory_space<vmem>>, vector<16xi32>,
      tpu.vector_store %arg6[%swap3A_263], %add3A_258 {strides = array<i32>} : memref<6400xi32, #tpu.memory_space<vmem>>, vector<16xi32>,
      %add3A_265 = arith.addi %add3A_256, %reduce_sum3A_229 : i32
      scf.yield %add3A_265 : i32
    }
    %scan3A_37 = arith.constant 100 : i32
    %dma_start3A_38 = tpu.memref_slice %arg3[%mul3A_2] : memref<204800xi32, #tpu.memory_space<hbm>> -> memref<6400xi32, #tpu.memory_space<hbm>>
    %dma_start3A_39 = tpu.memref_slice %arg3[%mul3A_2] : memref<204800xi32, #tpu.memory_space<hbm>> -> memref<6400xi32, #tpu.memory_space<hbm>>
    tpu.enqueue_dma source(%arg6 : memref<6400xi32, #tpu.memory_space<vmem>>) target(%dma_start3A_39 : memref<6400xi32, #tpu.memory_space<hbm>>) target_semaphore(%arg8 : memref<!tpu.dma_semaphore, #tpu.memory_space<semaphore_mem>>)
    %mul3A_40 = arith.constant 128 : i32
    %mul3A_41 = arith.muli %add3A, %mul3A_40 : i32
    %add3A_42 = arith.constant 0 : i32
    %add3A_43 = arith.addi %mul3A_41, %add3A_42 : i32
    %get3A = arith.index_cast %add3A_43 : i32 to index
    %get3A_44 = tpu.vector_load %arg5[%get3A] {strides = array<i32>} : memref<4112xi32, #tpu.memory_space<vmem>>, vector<16xi32>,
    %add3A_45 = arith.constant 0 : i32
    %add3A_46 = arith.addi %mul3A_41, %add3A_45 : i32
    %add3A_47 = arith.constant 1 : i32
    %add3A_48 = arith.addi %add3A_46, %add3A_47 : i32
    %get3A_49 = arith.index_cast %add3A_48 : i32 to index
    %get3A_50 = tpu.vector_load %arg5[%get3A_49] {strides = array<i32>} : memref<4112xi32, #tpu.memory_space<vmem>>, vector<16xi32>,
    %sub3A_51 = arith.subi %get3A_50, %get3A_44 : vector<16xi32>
    %convert_element_type3A = arith.sitofp %sub3A_51 : vector<16xi32> to vector<16xf32>
    %div3A = arith.constant 1.000000e+00 : f32
    %div3A_52 = vector.broadcast %div3A : f32 to vector<16xf32>
    %div3A_53 = arith.divf %div3A_52, %convert_element_type3A : vector<16xf32>
    %swap3A_54 = arith.constant 0 : index
    %swap3A_55 = tpu.vector_load %arg7[%swap3A_54] {strides = array<i32>} : memref<128xf32, #tpu.memory_space<vmem>>, vector<16xf32>,
    tpu.vector_store %arg7[%swap3A_54], %div3A_53 {strides = array<i32>} : memref<128xf32, #tpu.memory_space<vmem>>, vector<16xf32>,
    %add3A_56 = arith.constant 16 : i32
    %add3A_57 = arith.addi %mul3A_41, %add3A_56 : i32
    %get3A_58 = arith.index_cast %add3A_57 : i32 to index
    %get3A_59 = tpu.vector_load %arg5[%get3A_58] {strides = array<i32>} : memref<4112xi32, #tpu.memory_space<vmem>>, vector<16xi32>,
    %add3A_60 = arith.constant 16 : i32
    %add3A_61 = arith.addi %mul3A_41, %add3A_60 : i32
    %add3A_62 = arith.constant 1 : i32
    %add3A_63 = arith.addi %add3A_61, %add3A_62 : i32
    %get3A_64 = arith.index_cast %add3A_63 : i32 to index
    %get3A_65 = tpu.vector_load %arg5[%get3A_64] {strides = array<i32>} : memref<4112xi32, #tpu.memory_space<vmem>>, vector<16xi32>,
    %sub3A_66 = arith.subi %get3A_65, %get3A_59 : vector<16xi32>
    %convert_element_type3A_67 = arith.sitofp %sub3A_66 : vector<16xi32> to vector<16xf32>
    %div3A_68 = arith.constant 1.000000e+00 : f32
    %div3A_69 = vector.broadcast %div3A_68 : f32 to vector<16xf32>
    %div3A_70 = arith.divf %div3A_69, %convert_element_type3A_67 : vector<16xf32>
    %swap3A_71 = arith.constant 16 : index
    %swap3A_72 = tpu.vector_load %arg7[%swap3A_71] {strides = array<i32>} : memref<128xf32, #tpu.memory_space<vmem>>, vector<16xf32>,
    tpu.vector_store %arg7[%swap3A_71], %div3A_70 {strides = array<i32>} : memref<128xf32, #tpu.memory_space<vmem>>, vector<16xf32>,
    %add3A_73 = arith.constant 32 : i32
    %add3A_74 = arith.addi %mul3A_41, %add3A_73 : i32
    %get3A_75 = arith.index_cast %add3A_74 : i32 to index
    %get3A_76 = tpu.vector_load %arg5[%get3A_75] {strides = array<i32>} : memref<4112xi32, #tpu.memory_space<vmem>>, vector<16xi32>,
    %add3A_77 = arith.constant 32 : i32
    %add3A_78 = arith.addi %mul3A_41, %add3A_77 : i32
    %add3A_79 = arith.constant 1 : i32
    %add3A_80 = arith.addi %add3A_78, %add3A_79 : i32
    %get3A_81 = arith.index_cast %add3A_80 : i32 to index
    %get3A_82 = tpu.vector_load %arg5[%get3A_81] {strides = array<i32>} : memref<4112xi32, #tpu.memory_space<vmem>>, vector<16xi32>,
    %sub3A_83 = arith.subi %get3A_82, %get3A_76 : vector<16xi32>
    %convert_element_type3A_84 = arith.sitofp %sub3A_83 : vector<16xi32> to vector<16xf32>
    %div3A_85 = arith.constant 1.000000e+00 : f32
    %div3A_86 = vector.broadcast %div3A_85 : f32 to vector<16xf32>
    %div3A_87 = arith.divf %div3A_86, %convert_element_type3A_84 : vector<16xf32>
    %swap3A_88 = arith.constant 32 : index
    %swap3A_89 = tpu.vector_load %arg7[%swap3A_88] {strides = array<i32>} : memref<128xf32, #tpu.memory_space<vmem>>, vector<16xf32>,
    tpu.vector_store %arg7[%swap3A_88], %div3A_87 {strides = array<i32>} : memref<128xf32, #tpu.memory_space<vmem>>, vector<16xf32>,
    %add3A_90 = arith.constant 48 : i32
    %add3A_91 = arith.addi %mul3A_41, %add3A_90 : i32
    %get3A_92 = arith.index_cast %add3A_91 : i32 to index
    %get3A_93 = tpu.vector_load %arg5[%get3A_92] {strides = array<i32>} : memref<4112xi32, #tpu.memory_space<vmem>>, vector<16xi32>,
    %add3A_94 = arith.constant 48 : i32
    %add3A_95 = arith.addi %mul3A_41, %add3A_94 : i32
    %add3A_96 = arith.constant 1 : i32
    %add3A_97 = arith.addi %add3A_95, %add3A_96 : i32
    %get3A_98 = arith.index_cast %add3A_97 : i32 to index
    %get3A_99 = tpu.vector_load %arg5[%get3A_98] {strides = array<i32>} : memref<4112xi32, #tpu.memory_space<vmem>>, vector<16xi32>,
    %sub3A_100 = arith.subi %get3A_99, %get3A_93 : vector<16xi32>
    %convert_element_type3A_101 = arith.sitofp %sub3A_100 : vector<16xi32> to vector<16xf32>
    %div3A_102 = arith.constant 1.000000e+00 : f32
    %div3A_103 = vector.broadcast %div3A_102 : f32 to vector<16xf32>
    %div3A_104 = arith.divf %div3A_103, %convert_element_type3A_101 : vector<16xf32>
    %swap3A_105 = arith.constant 48 : index
    %swap3A_106 = tpu.vector_load %arg7[%swap3A_105] {strides = array<i32>} : memref<128xf32, #tpu.memory_space<vmem>>, vector<16xf32>,
    tpu.vector_store %arg7[%swap3A_105], %div3A_104 {strides = array<i32>} : memref<128xf32, #tpu.memory_space<vmem>>, vector<16xf32>,
    %add3A_107 = arith.constant 64 : i32
    %add3A_108 = arith.addi %mul3A_41, %add3A_107 : i32
    %get3A_109 = arith.index_cast %add3A_108 : i32 to index
    %get3A_110 = tpu.vector_load %arg5[%get3A_109] {strides = array<i32>} : memref<4112xi32, #tpu.memory_space<vmem>>, vector<16xi32>,
    %add3A_111 = arith.constant 64 : i32
    %add3A_112 = arith.addi %mul3A_41, %add3A_111 : i32
    %add3A_113 = arith.constant 1 : i32
    %add3A_114 = arith.addi %add3A_112, %add3A_113 : i32
    %get3A_115 = arith.index_cast %add3A_114 : i32 to index
    %get3A_116 = tpu.vector_load %arg5[%get3A_115] {strides = array<i32>} : memref<4112xi32, #tpu.memory_space<vmem>>, vector<16xi32>,
    %sub3A_117 = arith.subi %get3A_116, %get3A_110 : vector<16xi32>
    %convert_element_type3A_118 = arith.sitofp %sub3A_117 : vector<16xi32> to vector<16xf32>
    %div3A_119 = arith.constant 1.000000e+00 : f32
    %div3A_120 = vector.broadcast %div3A_119 : f32 to vector<16xf32>
    %div3A_121 = arith.divf %div3A_120, %convert_element_type3A_118 : vector<16xf32>
    %swap3A_122 = arith.constant 64 : index
    %swap3A_123 = tpu.vector_load %arg7[%swap3A_122] {strides = array<i32>} : memref<128xf32, #tpu.memory_space<vmem>>, vector<16xf32>,
    tpu.vector_store %arg7[%swap3A_122], %div3A_121 {strides = array<i32>} : memref<128xf32, #tpu.memory_space<vmem>>, vector<16xf32>,
    %add3A_124 = arith.constant 80 : i32
    %add3A_125 = arith.addi %mul3A_41, %add3A_124 : i32
    %get3A_126 = arith.index_cast %add3A_125 : i32 to index
    %get3A_127 = tpu.vector_load %arg5[%get3A_126] {strides = array<i32>} : memref<4112xi32, #tpu.memory_space<vmem>>, vector<16xi32>,
    %add3A_128 = arith.constant 80 : i32
    %add3A_129 = arith.addi %mul3A_41, %add3A_128 : i32
    %add3A_130 = arith.constant 1 : i32
    %add3A_131 = arith.addi %add3A_129, %add3A_130 : i32
    %get3A_132 = arith.index_cast %add3A_131 : i32 to index
    %get3A_133 = tpu.vector_load %arg5[%get3A_132] {strides = array<i32>} : memref<4112xi32, #tpu.memory_space<vmem>>, vector<16xi32>,
    %sub3A_134 = arith.subi %get3A_133, %get3A_127 : vector<16xi32>
    %convert_element_type3A_135 = arith.sitofp %sub3A_134 : vector<16xi32> to vector<16xf32>
    %div3A_136 = arith.constant 1.000000e+00 : f32
    %div3A_137 = vector.broadcast %div3A_136 : f32 to vector<16xf32>
    %div3A_138 = arith.divf %div3A_137, %convert_element_type3A_135 : vector<16xf32>
    %swap3A_139 = arith.constant 80 : index
    %swap3A_140 = tpu.vector_load %arg7[%swap3A_139] {strides = array<i32>} : memref<128xf32, #tpu.memory_space<vmem>>, vector<16xf32>,
    tpu.vector_store %arg7[%swap3A_139], %div3A_138 {strides = array<i32>} : memref<128xf32, #tpu.memory_space<vmem>>, vector<16xf32>,
    %add3A_141 = arith.constant 96 : i32
    %add3A_142 = arith.addi %mul3A_41, %add3A_141 : i32
    %get3A_143 = arith.index_cast %add3A_142 : i32 to index
    %get3A_144 = tpu.vector_load %arg5[%get3A_143] {strides = array<i32>} : memref<4112xi32, #tpu.memory_space<vmem>>, vector<16xi32>,
    %add3A_145 = arith.constant 96 : i32
    %add3A_146 = arith.addi %mul3A_41, %add3A_145 : i32
    %add3A_147 = arith.constant 1 : i32
    %add3A_148 = arith.addi %add3A_146, %add3A_147 : i32
    %get3A_149 = arith.index_cast %add3A_148 : i32 to index
    %get3A_150 = tpu.vector_load %arg5[%get3A_149] {strides = array<i32>} : memref<4112xi32, #tpu.memory_space<vmem>>, vector<16xi32>,
    %sub3A_151 = arith.subi %get3A_150, %get3A_144 : vector<16xi32>
    %convert_element_type3A_152 = arith.sitofp %sub3A_151 : vector<16xi32> to vector<16xf32>
    %div3A_153 = arith.constant 1.000000e+00 : f32
    %div3A_154 = vector.broadcast %div3A_153 : f32 to vector<16xf32>
    %div3A_155 = arith.divf %div3A_154, %convert_element_type3A_152 : vector<16xf32>
    %swap3A_156 = arith.constant 96 : index
    %swap3A_157 = tpu.vector_load %arg7[%swap3A_156] {strides = array<i32>} : memref<128xf32, #tpu.memory_space<vmem>>, vector<16xf32>,
    tpu.vector_store %arg7[%swap3A_156], %div3A_155 {strides = array<i32>} : memref<128xf32, #tpu.memory_space<vmem>>, vector<16xf32>,
    %add3A_158 = arith.constant 112 : i32
    %add3A_159 = arith.addi %mul3A_41, %add3A_158 : i32
    %get3A_160 = arith.index_cast %add3A_159 : i32 to index
    %get3A_161 = tpu.vector_load %arg5[%get3A_160] {strides = array<i32>} : memref<4112xi32, #tpu.memory_space<vmem>>, vector<16xi32>,
    %add3A_162 = arith.constant 112 : i32
    %add3A_163 = arith.addi %mul3A_41, %add3A_162 : i32
    %add3A_164 = arith.constant 1 : i32
    %add3A_165 = arith.addi %add3A_163, %add3A_164 : i32
    %get3A_166 = arith.index_cast %add3A_165 : i32 to index
    %get3A_167 = tpu.vector_load %arg5[%get3A_166] {strides = array<i32>} : memref<4112xi32, #tpu.memory_space<vmem>>, vector<16xi32>,
    %sub3A_168 = arith.subi %get3A_167, %get3A_161 : vector<16xi32>
    %convert_element_type3A_169 = arith.sitofp %sub3A_168 : vector<16xi32> to vector<16xf32>
    %div3A_170 = arith.constant 1.000000e+00 : f32
    %div3A_171 = vector.broadcast %div3A_170 : f32 to vector<16xf32>
    %div3A_172 = arith.divf %div3A_171, %convert_element_type3A_169 : vector<16xf32>
    %swap3A_173 = arith.constant 112 : index
    %swap3A_174 = tpu.vector_load %arg7[%swap3A_173] {strides = array<i32>} : memref<128xf32, #tpu.memory_space<vmem>>, vector<16xf32>,
    tpu.vector_store %arg7[%swap3A_173], %div3A_172 {strides = array<i32>} : memref<128xf32, #tpu.memory_space<vmem>>, vector<16xf32>,
    %dma_wait3A_175 = tpu.memref_slice %arg3[%mul3A_2] : memref<204800xi32, #tpu.memory_space<hbm>> -> memref<6400xi32, #tpu.memory_space<hbm>>
    %dma_wait3A_176 = tpu.memref_slice %arg3[%mul3A_2] : memref<204800xi32, #tpu.memory_space<hbm>> -> memref<6400xi32, #tpu.memory_space<hbm>>
    tpu.wait_dma2 semaphore(%arg8 : memref<!tpu.dma_semaphore, #tpu.memory_space<semaphore_mem>>) src(%arg6 : memref<6400xi32, #tpu.memory_space<vmem>>) dst(%dma_wait3A_176 : memref<6400xi32, #tpu.memory_space<hbm>>)
    "tpu.region"() ({
      %run_scoped3A = tpu.sem_alloc : memref<!tpu.dma_semaphore, #tpu.memory_space<semaphore_mem>>
      %dma_start3A_177 = tpu.memref_slice %arg4[%mul3A_41] : memref<4096xf32, #tpu.memory_space<hbm>> -> memref<128xf32, #tpu.memory_space<hbm>>
      %dma_start3A_178 = tpu.memref_slice %arg4[%mul3A_41] : memref<4096xf32, #tpu.memory_space<hbm>> -> memref<128xf32, #tpu.memory_space<hbm>>
      tpu.enqueue_dma source(%arg7 : memref<128xf32, #tpu.memory_space<vmem>>) target(%dma_start3A_178 : memref<128xf32, #tpu.memory_space<hbm>>) target_semaphore(%run_scoped3A : memref<!tpu.dma_semaphore, #tpu.memory_space<semaphore_mem>>)
      %dma_wait3A_179 = tpu.memref_slice %arg4[%mul3A_41] : memref<4096xf32, #tpu.memory_space<hbm>> -> memref<128xf32, #tpu.memory_space<hbm>>
      %dma_wait3A_180 = tpu.memref_slice %arg4[%mul3A_41] : memref<4096xf32, #tpu.memory_space<hbm>> -> memref<128xf32, #tpu.memory_space<hbm>>
      tpu.wait_dma2 semaphore(%run_scoped3A : memref<!tpu.dma_semaphore, #tpu.memory_space<semaphore_mem>>) src(%arg7 : memref<128xf32, #tpu.memory_space<vmem>>) dst(%dma_wait3A_180 : memref<128xf32, #tpu.memory_space<hbm>>)
      tpu.yield
    }) : () -> ()
    return
  }
}

#map = affine_map<(d0, d1) -> (0)>
#map1 = affine_map<(d0, d1) -> (0, 0)>
#map2 = affine_map<(d0, d1) -> (0, 0, 0)>
module attributes {stable_mosaic.version = 14 : i64} {
  func.func @_acc_body(%arg0: i32, %arg1: i32, %arg2: memref<204800xi32, #tpu.memory_space<hbm>>, %arg3: memref<204800xi32, #tpu.memory_space<hbm>>, %arg4: memref<4096xf32, #tpu.memory_space<hbm>>, %arg5: memref<100000x64xf32, #tpu.memory_space<hbm>>, %arg6: memref<2x4096x64xf32, #tpu.memory_space<hbm>>, %arg7: memref<6400xi32, #tpu.memory_space<vmem>>, %arg8: memref<6400xi32, #tpu.memory_space<vmem>>, %arg9: memref<256x64xf32, #tpu.memory_space<vmem>>, %arg10: memref<256x64xf32, #tpu.memory_space<vmem>>, %arg11: memref<256x64xf32, #tpu.memory_space<vmem>>, %arg12: memref<256x64xf32, #tpu.memory_space<vmem>>, %arg13: memref<256xf32, #tpu.memory_space<vmem>>, %arg14: memref<4096x64xf32, #tpu.memory_space<vmem_shared>>, %arg15: memref<!tpu.dma_semaphore, #tpu.memory_space<semaphore_mem>>, %arg16: memref<!tpu.dma_semaphore, #tpu.memory_space<semaphore_mem>>, %arg17: memref<!tpu.dma_semaphore, #tpu.memory_space<semaphore_mem>>, %arg18: memref<!tpu.dma_semaphore, #tpu.memory_space<semaphore_mem>>, %arg19: memref<!tpu.dma_semaphore, #tpu.memory_space<semaphore_mem>>, %arg20: memref<!tpu.dma_semaphore, #tpu.memory_space<semaphore_mem>>, %arg21: memref<!tpu.dma_semaphore, #tpu.memory_space<semaphore_mem>>, %arg22: memref<!tpu.dma_semaphore, #tpu.memory_space<semaphore_mem>>, %arg23: memref<!tpu.dma_semaphore, #tpu.memory_space<semaphore_mem>>) attributes {dimension_semantics = [#tpu.dimension_semantics<core_parallel>, #tpu.dimension_semantics<subcore_parallel>], iteration_bounds = array<i64: 2, 16>, scalar_prefetch = 0 : i64, scratch_operands = 17 : i64, tpu.core_type = #tpu.core_type<sc_vector_subcore>, window_params = [{transform_indices = #map}, {transform_indices = #map}, {transform_indices = #map}, {transform_indices = #map1}, {transform_indices = #map2}]} {
    %mul3A = arith.constant 2 : i32
    %mul3A_0 = arith.muli %arg1, %mul3A : i32
    %add3A = arith.addi %mul3A_0, %arg0 : i32
    %mul3A_1 = arith.constant 6400 : i32
    %mul3A_2 = arith.muli %add3A, %mul3A_1 : i32
    %mul3A_3 = arith.constant 256 : i32
    %mul3A_4 = arith.muli %arg1, %mul3A_3 : i32
    %dma_start3A = tpu.memref_slice %arg2[%mul3A_2] : memref<204800xi32, #tpu.memory_space<hbm>> -> memref<6400xi32, #tpu.memory_space<hbm>>
    %dma_start3A_5 = tpu.memref_slice %arg2[%mul3A_2] : memref<204800xi32, #tpu.memory_space<hbm>> -> memref<6400xi32, #tpu.memory_space<hbm>>
    tpu.enqueue_dma source(%dma_start3A_5 : memref<6400xi32, #tpu.memory_space<hbm>>) target(%arg7 : memref<6400xi32, #tpu.memory_space<vmem>>) target_semaphore(%arg15 : memref<!tpu.dma_semaphore, #tpu.memory_space<semaphore_mem>>)
    %dma_start3A_6 = tpu.memref_slice %arg3[%mul3A_2] : memref<204800xi32, #tpu.memory_space<hbm>> -> memref<6400xi32, #tpu.memory_space<hbm>>
    %dma_start3A_7 = tpu.memref_slice %arg3[%mul3A_2] : memref<204800xi32, #tpu.memory_space<hbm>> -> memref<6400xi32, #tpu.memory_space<hbm>>
    tpu.enqueue_dma source(%dma_start3A_7 : memref<6400xi32, #tpu.memory_space<hbm>>) target(%arg8 : memref<6400xi32, #tpu.memory_space<vmem>>) target_semaphore(%arg16 : memref<!tpu.dma_semaphore, #tpu.memory_space<semaphore_mem>>)
    %dma_start3A_8 = tpu.memref_slice %arg4[%mul3A_4] : memref<4096xf32, #tpu.memory_space<hbm>> -> memref<256xf32, #tpu.memory_space<hbm>>
    %dma_start3A_9 = tpu.memref_slice %arg4[%mul3A_4] : memref<4096xf32, #tpu.memory_space<hbm>> -> memref<256xf32, #tpu.memory_space<hbm>>
    tpu.enqueue_dma source(%dma_start3A_9 : memref<256xf32, #tpu.memory_space<hbm>>) target(%arg13 : memref<256xf32, #tpu.memory_space<vmem>>) target_semaphore(%arg23 : memref<!tpu.dma_semaphore, #tpu.memory_space<semaphore_mem>>)
    %broadcast_in_dim3A = arith.constant 0.000000e+00 : f32
    %broadcast_in_dim3A_10 = vector.broadcast %broadcast_in_dim3A : f32 to vector<16xf32>
    %scan3A = arith.constant 0 : i32
    %scan3A_11 = arith.constant 0 : i32
    %scan3A_12 = arith.constant 256 : i32
    %scan3A_13 = arith.addi %scan3A_11, %scan3A_12 : i32
    %scan3A_14 = arith.constant 1 : i32
    scf.for %scan3A_152 = %scan3A_11 to %scan3A_13 step %scan3A_14  : i32 {
      %swap3A = arith.index_cast %scan3A_152 : i32 to index
      %swap3A_153 = arith.constant 0 : index
      %swap3A_154 = tpu.vector_load %arg9[%swap3A, %swap3A_153] {strides = array<i32>} : memref<256x64xf32, #tpu.memory_space<vmem>>, vector<16xf32>,
      tpu.vector_store %arg9[%swap3A, %swap3A_153], %broadcast_in_dim3A_10 {strides = array<i32>} : memref<256x64xf32, #tpu.memory_space<vmem>>, vector<16xf32>,
      %swap3A_155 = arith.index_cast %scan3A_152 : i32 to index
      %swap3A_156 = arith.constant 16 : index
      %swap3A_157 = tpu.vector_load %arg9[%swap3A_155, %swap3A_156] {strides = array<i32>} : memref<256x64xf32, #tpu.memory_space<vmem>>, vector<16xf32>,
      tpu.vector_store %arg9[%swap3A_155, %swap3A_156], %broadcast_in_dim3A_10 {strides = array<i32>} : memref<256x64xf32, #tpu.memory_space<vmem>>, vector<16xf32>,
      %swap3A_158 = arith.index_cast %scan3A_152 : i32 to index
      %swap3A_159 = arith.constant 32 : index
      %swap3A_160 = tpu.vector_load %arg9[%swap3A_158, %swap3A_159] {strides = array<i32>} : memref<256x64xf32, #tpu.memory_space<vmem>>, vector<16xf32>,
      tpu.vector_store %arg9[%swap3A_158, %swap3A_159], %broadcast_in_dim3A_10 {strides = array<i32>} : memref<256x64xf32, #tpu.memory_space<vmem>>, vector<16xf32>,
      %swap3A_161 = arith.index_cast %scan3A_152 : i32 to index
      %swap3A_162 = arith.constant 48 : index
      %swap3A_163 = tpu.vector_load %arg9[%swap3A_161, %swap3A_162] {strides = array<i32>} : memref<256x64xf32, #tpu.memory_space<vmem>>, vector<16xf32>,
      tpu.vector_store %arg9[%swap3A_161, %swap3A_162], %broadcast_in_dim3A_10 {strides = array<i32>} : memref<256x64xf32, #tpu.memory_space<vmem>>, vector<16xf32>,
    }
    %scan3A_15 = arith.constant 256 : i32
    %add3A_16 = arith.constant 0 : i32
    %add3A_17 = arith.addi %mul3A_4, %add3A_16 : i32
    "tpu.region"() ({
      %run_scoped3A = tpu.sem_alloc : memref<!tpu.dma_semaphore, #tpu.memory_space<semaphore_mem>>
      %dma_start3A_152 = arith.constant 0 : i32
      %dma_start3A_153 = tpu.memref_slice %arg14[%add3A_17, %dma_start3A_152] : memref<4096x64xf32, #tpu.memory_space<vmem_shared>> -> memref<256x64xf32, #tpu.memory_space<vmem_shared>>
      %dma_start3A_154 = arith.constant 0 : i32
      %dma_start3A_155 = tpu.memref_slice %arg14[%add3A_17, %dma_start3A_154] : memref<4096x64xf32, #tpu.memory_space<vmem_shared>> -> memref<256x64xf32, #tpu.memory_space<vmem_shared>>
      tpu.enqueue_dma source(%arg9 : memref<256x64xf32, #tpu.memory_space<vmem>>) target(%dma_start3A_155 : memref<256x64xf32, #tpu.memory_space<vmem_shared>>) target_semaphore(%run_scoped3A : memref<!tpu.dma_semaphore, #tpu.memory_space<semaphore_mem>>)
      %dma_wait3A_156 = arith.constant 0 : i32
      %dma_wait3A_157 = tpu.memref_slice %arg14[%add3A_17, %dma_wait3A_156] : memref<4096x64xf32, #tpu.memory_space<vmem_shared>> -> memref<256x64xf32, #tpu.memory_space<vmem_shared>>
      %dma_wait3A_158 = arith.constant 0 : i32
      %dma_wait3A_159 = tpu.memref_slice %arg14[%add3A_17, %dma_wait3A_158] : memref<4096x64xf32, #tpu.memory_space<vmem_shared>> -> memref<256x64xf32, #tpu.memory_space<vmem_shared>>
      tpu.wait_dma2 semaphore(%run_scoped3A : memref<!tpu.dma_semaphore, #tpu.memory_space<semaphore_mem>>) src(%arg9 : memref<256x64xf32, #tpu.memory_space<vmem>>) dst(%dma_wait3A_159 : memref<256x64xf32, #tpu.memory_space<vmem_shared>>)
      tpu.yield
    }) : () -> ()
    %dma_wait3A = tpu.memref_slice %arg2[%mul3A_2] : memref<204800xi32, #tpu.memory_space<hbm>> -> memref<6400xi32, #tpu.memory_space<hbm>>
    %dma_wait3A_18 = tpu.memref_slice %arg2[%mul3A_2] : memref<204800xi32, #tpu.memory_space<hbm>> -> memref<6400xi32, #tpu.memory_space<hbm>>
    tpu.wait_dma2 semaphore(%arg15 : memref<!tpu.dma_semaphore, #tpu.memory_space<semaphore_mem>>) src(%dma_wait3A_18 : memref<6400xi32, #tpu.memory_space<hbm>>) dst(%arg7 : memref<6400xi32, #tpu.memory_space<vmem>>)
    %dma_wait3A_19 = tpu.memref_slice %arg3[%mul3A_2] : memref<204800xi32, #tpu.memory_space<hbm>> -> memref<6400xi32, #tpu.memory_space<hbm>>
    %dma_wait3A_20 = tpu.memref_slice %arg3[%mul3A_2] : memref<204800xi32, #tpu.memory_space<hbm>> -> memref<6400xi32, #tpu.memory_space<hbm>>
    tpu.wait_dma2 semaphore(%arg16 : memref<!tpu.dma_semaphore, #tpu.memory_space<semaphore_mem>>) src(%dma_wait3A_20 : memref<6400xi32, #tpu.memory_space<hbm>>) dst(%arg8 : memref<6400xi32, #tpu.memory_space<vmem>>)
    %dma_wait3A_21 = tpu.memref_slice %arg4[%mul3A_4] : memref<4096xf32, #tpu.memory_space<hbm>> -> memref<256xf32, #tpu.memory_space<hbm>>
    %dma_wait3A_22 = tpu.memref_slice %arg4[%mul3A_4] : memref<4096xf32, #tpu.memory_space<hbm>> -> memref<256xf32, #tpu.memory_space<hbm>>
    tpu.wait_dma2 semaphore(%arg23 : memref<!tpu.dma_semaphore, #tpu.memory_space<semaphore_mem>>) src(%dma_wait3A_22 : memref<256xf32, #tpu.memory_space<hbm>>) dst(%arg13 : memref<256xf32, #tpu.memory_space<vmem>>)
    %barrier3A = arith.constant 0 : index
    tpu.barrier barrier_id(%barrier3A)
    %dma_start3A_23 = arith.constant 0 : i32
    %dma_start3A_24 = tpu.memref_slice %arg7[%dma_start3A_23] : memref<6400xi32, #tpu.memory_space<vmem>> -> memref<256xi32, #tpu.memory_space<vmem>>
    %dma_start3A_25 = arith.constant 0 : i32
    %dma_start3A_26 = arith.constant 0 : i32
    %dma_start3A_27 = tpu.memref_slice %arg5[%dma_start3A_25, %dma_start3A_26] : memref<100000x64xf32, #tpu.memory_space<hbm>> -> memref<100000x64xf32, #tpu.memory_space<hbm>>
    tpu.enqueue_indirect_dma source(%dma_start3A_27 : memref<100000x64xf32, #tpu.memory_space<hbm>>) target(%arg9 : memref<256x64xf32, #tpu.memory_space<vmem>>) offsets(%dma_start3A_24 : memref<256xi32, #tpu.memory_space<vmem>>) semaphore(%arg15 : memref<!tpu.dma_semaphore, #tpu.memory_space<semaphore_mem>>)
    %dma_start3A_28 = arith.constant 256 : i32
    %dma_start3A_29 = tpu.memref_slice %arg7[%dma_start3A_28] : memref<6400xi32, #tpu.memory_space<vmem>> -> memref<256xi32, #tpu.memory_space<vmem>>
    %dma_start3A_30 = arith.constant 0 : i32
    %dma_start3A_31 = arith.constant 0 : i32
    %dma_start3A_32 = tpu.memref_slice %arg5[%dma_start3A_30, %dma_start3A_31] : memref<100000x64xf32, #tpu.memory_space<hbm>> -> memref<100000x64xf32, #tpu.memory_space<hbm>>
    tpu.enqueue_indirect_dma source(%dma_start3A_32 : memref<100000x64xf32, #tpu.memory_space<hbm>>) target(%arg10 : memref<256x64xf32, #tpu.memory_space<vmem>>) offsets(%dma_start3A_29 : memref<256xi32, #tpu.memory_space<vmem>>) semaphore(%arg16 : memref<!tpu.dma_semaphore, #tpu.memory_space<semaphore_mem>>)
    %dma_start3A_33 = arith.constant 512 : i32
    %dma_start3A_34 = tpu.memref_slice %arg7[%dma_start3A_33] : memref<6400xi32, #tpu.memory_space<vmem>> -> memref<256xi32, #tpu.memory_space<vmem>>
    %dma_start3A_35 = arith.constant 0 : i32
    %dma_start3A_36 = arith.constant 0 : i32
    %dma_start3A_37 = tpu.memref_slice %arg5[%dma_start3A_35, %dma_start3A_36] : memref<100000x64xf32, #tpu.memory_space<hbm>> -> memref<100000x64xf32, #tpu.memory_space<hbm>>
    tpu.enqueue_indirect_dma source(%dma_start3A_37 : memref<100000x64xf32, #tpu.memory_space<hbm>>) target(%arg11 : memref<256x64xf32, #tpu.memory_space<vmem>>) offsets(%dma_start3A_34 : memref<256xi32, #tpu.memory_space<vmem>>) semaphore(%arg17 : memref<!tpu.dma_semaphore, #tpu.memory_space<semaphore_mem>>)
    %dma_start3A_38 = arith.constant 768 : i32
    %dma_start3A_39 = tpu.memref_slice %arg7[%dma_start3A_38] : memref<6400xi32, #tpu.memory_space<vmem>> -> memref<256xi32, #tpu.memory_space<vmem>>
    %dma_start3A_40 = arith.constant 0 : i32
    %dma_start3A_41 = arith.constant 0 : i32
    %dma_start3A_42 = tpu.memref_slice %arg5[%dma_start3A_40, %dma_start3A_41] : memref<100000x64xf32, #tpu.memory_space<hbm>> -> memref<100000x64xf32, #tpu.memory_space<hbm>>
    tpu.enqueue_indirect_dma source(%dma_start3A_42 : memref<100000x64xf32, #tpu.memory_space<hbm>>) target(%arg12 : memref<256x64xf32, #tpu.memory_space<vmem>>) offsets(%dma_start3A_39 : memref<256xi32, #tpu.memory_space<vmem>>) semaphore(%arg18 : memref<!tpu.dma_semaphore, #tpu.memory_space<semaphore_mem>>)
    %scan3A_43 = arith.constant 0 : i32
    %scan3A_44 = arith.constant 0 : i32
    %scan3A_45 = arith.constant 5 : i32
    %scan3A_46 = arith.addi %scan3A_44, %scan3A_45 : i32
    %scan3A_47 = arith.constant 1 : i32
    scf.for %scan3A_152 = %scan3A_44 to %scan3A_46 step %scan3A_47  : i32 {
      %mul3A_153 = arith.constant 4 : i32
      %mul3A_154 = arith.muli %scan3A_152, %mul3A_153 : i32
      %add3A_155 = arith.constant 0 : i32
      %add3A_156 = arith.addi %mul3A_154, %add3A_155 : i32
      %mul3A_157 = arith.constant 256 : i32
      %mul3A_158 = arith.muli %add3A_156, %mul3A_157 : i32
      %dma_wait3A_159 = tpu.memref_slice %arg7[%mul3A_158] : memref<6400xi32, #tpu.memory_space<vmem>> -> memref<256xi32, #tpu.memory_space<vmem>>
      %dma_wait3A_160 = arith.constant 0 : i32
      %dma_wait3A_161 = arith.constant 0 : i32
      %dma_wait3A_162 = tpu.memref_slice %arg5[%dma_wait3A_160, %dma_wait3A_161] : memref<100000x64xf32, #tpu.memory_space<hbm>> -> memref<100000x64xf32, #tpu.memory_space<hbm>>
      tpu.wait_indirect_dma semaphore(%arg15 : memref<!tpu.dma_semaphore, #tpu.memory_space<semaphore_mem>>) src(%dma_wait3A_162 : memref<100000x64xf32, #tpu.memory_space<hbm>>) dst(%arg9 : memref<256x64xf32, #tpu.memory_space<vmem>>)
      %add3A_163 = arith.constant 0 : i32
      %add3A_164 = arith.addi %mul3A_154, %add3A_163 : i32
      %mul3A_165 = arith.constant 256 : i32
      %mul3A_166 = arith.muli %add3A_164, %mul3A_165 : i32
      %dma_start3A_167 = tpu.memref_slice %arg8[%mul3A_166] : memref<6400xi32, #tpu.memory_space<vmem>> -> memref<256xi32, #tpu.memory_space<vmem>>
      %dma_start3A_168 = arith.constant 0 : i32
      %dma_start3A_169 = arith.constant 0 : i32
      %dma_start3A_170 = tpu.memref_slice %arg14[%dma_start3A_168, %dma_start3A_169] : memref<4096x64xf32, #tpu.memory_space<vmem_shared>> -> memref<4096x64xf32, #tpu.memory_space<vmem_shared>>
      tpu.enqueue_indirect_dma source(%arg9 : memref<256x64xf32, #tpu.memory_space<vmem>>) target(%dma_start3A_170 : memref<4096x64xf32, #tpu.memory_space<vmem_shared>>) offsets(%dma_start3A_167 : memref<256xi32, #tpu.memory_space<vmem>>) semaphore(%arg19 : memref<!tpu.dma_semaphore, #tpu.memory_space<semaphore_mem>>) {add = true}
      %add3A_171 = arith.constant 1 : i32
      %add3A_172 = arith.addi %mul3A_154, %add3A_171 : i32
      %mul3A_173 = arith.constant 256 : i32
      %mul3A_174 = arith.muli %add3A_172, %mul3A_173 : i32
      %dma_wait3A_175 = tpu.memref_slice %arg7[%mul3A_174] : memref<6400xi32, #tpu.memory_space<vmem>> -> memref<256xi32, #tpu.memory_space<vmem>>
      %dma_wait3A_176 = arith.constant 0 : i32
      %dma_wait3A_177 = arith.constant 0 : i32
      %dma_wait3A_178 = tpu.memref_slice %arg5[%dma_wait3A_176, %dma_wait3A_177] : memref<100000x64xf32, #tpu.memory_space<hbm>> -> memref<100000x64xf32, #tpu.memory_space<hbm>>
      tpu.wait_indirect_dma semaphore(%arg16 : memref<!tpu.dma_semaphore, #tpu.memory_space<semaphore_mem>>) src(%dma_wait3A_178 : memref<100000x64xf32, #tpu.memory_space<hbm>>) dst(%arg10 : memref<256x64xf32, #tpu.memory_space<vmem>>)
      %add3A_179 = arith.constant 1 : i32
      %add3A_180 = arith.addi %mul3A_154, %add3A_179 : i32
      %mul3A_181 = arith.constant 256 : i32
      %mul3A_182 = arith.muli %add3A_180, %mul3A_181 : i32
      %dma_start3A_183 = tpu.memref_slice %arg8[%mul3A_182] : memref<6400xi32, #tpu.memory_space<vmem>> -> memref<256xi32, #tpu.memory_space<vmem>>
      %dma_start3A_184 = arith.constant 0 : i32
      %dma_start3A_185 = arith.constant 0 : i32
      %dma_start3A_186 = tpu.memref_slice %arg14[%dma_start3A_184, %dma_start3A_185] : memref<4096x64xf32, #tpu.memory_space<vmem_shared>> -> memref<4096x64xf32, #tpu.memory_space<vmem_shared>>
      tpu.enqueue_indirect_dma source(%arg10 : memref<256x64xf32, #tpu.memory_space<vmem>>) target(%dma_start3A_186 : memref<4096x64xf32, #tpu.memory_space<vmem_shared>>) offsets(%dma_start3A_183 : memref<256xi32, #tpu.memory_space<vmem>>) semaphore(%arg20 : memref<!tpu.dma_semaphore, #tpu.memory_space<semaphore_mem>>) {add = true}
      %add3A_187 = arith.constant 2 : i32
      %add3A_188 = arith.addi %mul3A_154, %add3A_187 : i32
      %mul3A_189 = arith.constant 256 : i32
      %mul3A_190 = arith.muli %add3A_188, %mul3A_189 : i32
      %dma_wait3A_191 = tpu.memref_slice %arg7[%mul3A_190] : memref<6400xi32, #tpu.memory_space<vmem>> -> memref<256xi32, #tpu.memory_space<vmem>>
      %dma_wait3A_192 = arith.constant 0 : i32
      %dma_wait3A_193 = arith.constant 0 : i32
      %dma_wait3A_194 = tpu.memref_slice %arg5[%dma_wait3A_192, %dma_wait3A_193] : memref<100000x64xf32, #tpu.memory_space<hbm>> -> memref<100000x64xf32, #tpu.memory_space<hbm>>
      tpu.wait_indirect_dma semaphore(%arg17 : memref<!tpu.dma_semaphore, #tpu.memory_space<semaphore_mem>>) src(%dma_wait3A_194 : memref<100000x64xf32, #tpu.memory_space<hbm>>) dst(%arg11 : memref<256x64xf32, #tpu.memory_space<vmem>>)
      %add3A_195 = arith.constant 2 : i32
      %add3A_196 = arith.addi %mul3A_154, %add3A_195 : i32
      %mul3A_197 = arith.constant 256 : i32
      %mul3A_198 = arith.muli %add3A_196, %mul3A_197 : i32
      %dma_start3A_199 = tpu.memref_slice %arg8[%mul3A_198] : memref<6400xi32, #tpu.memory_space<vmem>> -> memref<256xi32, #tpu.memory_space<vmem>>
      %dma_start3A_200 = arith.constant 0 : i32
      %dma_start3A_201 = arith.constant 0 : i32
      %dma_start3A_202 = tpu.memref_slice %arg14[%dma_start3A_200, %dma_start3A_201] : memref<4096x64xf32, #tpu.memory_space<vmem_shared>> -> memref<4096x64xf32, #tpu.memory_space<vmem_shared>>
      tpu.enqueue_indirect_dma source(%arg11 : memref<256x64xf32, #tpu.memory_space<vmem>>) target(%dma_start3A_202 : memref<4096x64xf32, #tpu.memory_space<vmem_shared>>) offsets(%dma_start3A_199 : memref<256xi32, #tpu.memory_space<vmem>>) semaphore(%arg21 : memref<!tpu.dma_semaphore, #tpu.memory_space<semaphore_mem>>) {add = true}
      %add3A_203 = arith.constant 3 : i32
      %add3A_204 = arith.addi %mul3A_154, %add3A_203 : i32
      %mul3A_205 = arith.constant 256 : i32
      %mul3A_206 = arith.muli %add3A_204, %mul3A_205 : i32
      %dma_wait3A_207 = tpu.memref_slice %arg7[%mul3A_206] : memref<6400xi32, #tpu.memory_space<vmem>> -> memref<256xi32, #tpu.memory_space<vmem>>
      %dma_wait3A_208 = arith.constant 0 : i32
      %dma_wait3A_209 = arith.constant 0 : i32
      %dma_wait3A_210 = tpu.memref_slice %arg5[%dma_wait3A_208, %dma_wait3A_209] : memref<100000x64xf32, #tpu.memory_space<hbm>> -> memref<100000x64xf32, #tpu.memory_space<hbm>>
      tpu.wait_indirect_dma semaphore(%arg18 : memref<!tpu.dma_semaphore, #tpu.memory_space<semaphore_mem>>) src(%dma_wait3A_210 : memref<100000x64xf32, #tpu.memory_space<hbm>>) dst(%arg12 : memref<256x64xf32, #tpu.memory_space<vmem>>)
      %add3A_211 = arith.constant 3 : i32
      %add3A_212 = arith.addi %mul3A_154, %add3A_211 : i32
      %mul3A_213 = arith.constant 256 : i32
      %mul3A_214 = arith.muli %add3A_212, %mul3A_213 : i32
      %dma_start3A_215 = tpu.memref_slice %arg8[%mul3A_214] : memref<6400xi32, #tpu.memory_space<vmem>> -> memref<256xi32, #tpu.memory_space<vmem>>
      %dma_start3A_216 = arith.constant 0 : i32
      %dma_start3A_217 = arith.constant 0 : i32
      %dma_start3A_218 = tpu.memref_slice %arg14[%dma_start3A_216, %dma_start3A_217] : memref<4096x64xf32, #tpu.memory_space<vmem_shared>> -> memref<4096x64xf32, #tpu.memory_space<vmem_shared>>
      tpu.enqueue_indirect_dma source(%arg12 : memref<256x64xf32, #tpu.memory_space<vmem>>) target(%dma_start3A_218 : memref<4096x64xf32, #tpu.memory_space<vmem_shared>>) offsets(%dma_start3A_215 : memref<256xi32, #tpu.memory_space<vmem>>) semaphore(%arg22 : memref<!tpu.dma_semaphore, #tpu.memory_space<semaphore_mem>>) {add = true}
      %add3A_219 = arith.constant 0 : i32
      %add3A_220 = arith.addi %mul3A_154, %add3A_219 : i32
      %mul3A_221 = arith.constant 256 : i32
      %mul3A_222 = arith.muli %add3A_220, %mul3A_221 : i32
      %dma_wait3A_223 = tpu.memref_slice %arg8[%mul3A_222] : memref<6400xi32, #tpu.memory_space<vmem>> -> memref<256xi32, #tpu.memory_space<vmem>>
      %dma_wait3A_224 = arith.constant 0 : i32
      %dma_wait3A_225 = arith.constant 0 : i32
      %dma_wait3A_226 = tpu.memref_slice %arg14[%dma_wait3A_224, %dma_wait3A_225] : memref<4096x64xf32, #tpu.memory_space<vmem_shared>> -> memref<4096x64xf32, #tpu.memory_space<vmem_shared>>
      tpu.wait_indirect_dma semaphore(%arg19 : memref<!tpu.dma_semaphore, #tpu.memory_space<semaphore_mem>>) src(%arg9 : memref<256x64xf32, #tpu.memory_space<vmem>>) dst(%dma_wait3A_226 : memref<4096x64xf32, #tpu.memory_space<vmem_shared>>)
      %add3A_227 = arith.constant 4 : i32
      %add3A_228 = arith.addi %mul3A_154, %add3A_227 : i32
      %add3A_229 = arith.constant 0 : i32
      %add3A_230 = arith.addi %add3A_228, %add3A_229 : i32
      %mul3A_231 = arith.constant 256 : i32
      %mul3A_232 = arith.muli %add3A_230, %mul3A_231 : i32
      %dma_start3A_233 = tpu.memref_slice %arg7[%mul3A_232] : memref<6400xi32, #tpu.memory_space<vmem>> -> memref<256xi32, #tpu.memory_space<vmem>>
      %dma_start3A_234 = arith.constant 0 : i32
      %dma_start3A_235 = arith.constant 0 : i32
      %dma_start3A_236 = tpu.memref_slice %arg5[%dma_start3A_234, %dma_start3A_235] : memref<100000x64xf32, #tpu.memory_space<hbm>> -> memref<100000x64xf32, #tpu.memory_space<hbm>>
      tpu.enqueue_indirect_dma source(%dma_start3A_236 : memref<100000x64xf32, #tpu.memory_space<hbm>>) target(%arg9 : memref<256x64xf32, #tpu.memory_space<vmem>>) offsets(%dma_start3A_233 : memref<256xi32, #tpu.memory_space<vmem>>) semaphore(%arg15 : memref<!tpu.dma_semaphore, #tpu.memory_space<semaphore_mem>>)
      %add3A_237 = arith.constant 1 : i32
      %add3A_238 = arith.addi %mul3A_154, %add3A_237 : i32
      %mul3A_239 = arith.constant 256 : i32
      %mul3A_240 = arith.muli %add3A_238, %mul3A_239 : i32
      %dma_wait3A_241 = tpu.memref_slice %arg8[%mul3A_240] : memref<6400xi32, #tpu.memory_space<vmem>> -> memref<256xi32, #tpu.memory_space<vmem>>
      %dma_wait3A_242 = arith.constant 0 : i32
      %dma_wait3A_243 = arith.constant 0 : i32
      %dma_wait3A_244 = tpu.memref_slice %arg14[%dma_wait3A_242, %dma_wait3A_243] : memref<4096x64xf32, #tpu.memory_space<vmem_shared>> -> memref<4096x64xf32, #tpu.memory_space<vmem_shared>>
      tpu.wait_indirect_dma semaphore(%arg20 : memref<!tpu.dma_semaphore, #tpu.memory_space<semaphore_mem>>) src(%arg10 : memref<256x64xf32, #tpu.memory_space<vmem>>) dst(%dma_wait3A_244 : memref<4096x64xf32, #tpu.memory_space<vmem_shared>>)
      %add3A_245 = arith.constant 4 : i32
      %add3A_246 = arith.addi %mul3A_154, %add3A_245 : i32
      %add3A_247 = arith.constant 1 : i32
      %add3A_248 = arith.addi %add3A_246, %add3A_247 : i32
      %mul3A_249 = arith.constant 256 : i32
      %mul3A_250 = arith.muli %add3A_248, %mul3A_249 : i32
      %dma_start3A_251 = tpu.memref_slice %arg7[%mul3A_250] : memref<6400xi32, #tpu.memory_space<vmem>> -> memref<256xi32, #tpu.memory_space<vmem>>
      %dma_start3A_252 = arith.constant 0 : i32
      %dma_start3A_253 = arith.constant 0 : i32
      %dma_start3A_254 = tpu.memref_slice %arg5[%dma_start3A_252, %dma_start3A_253] : memref<100000x64xf32, #tpu.memory_space<hbm>> -> memref<100000x64xf32, #tpu.memory_space<hbm>>
      tpu.enqueue_indirect_dma source(%dma_start3A_254 : memref<100000x64xf32, #tpu.memory_space<hbm>>) target(%arg10 : memref<256x64xf32, #tpu.memory_space<vmem>>) offsets(%dma_start3A_251 : memref<256xi32, #tpu.memory_space<vmem>>) semaphore(%arg16 : memref<!tpu.dma_semaphore, #tpu.memory_space<semaphore_mem>>)
      %add3A_255 = arith.constant 2 : i32
      %add3A_256 = arith.addi %mul3A_154, %add3A_255 : i32
      %mul3A_257 = arith.constant 256 : i32
      %mul3A_258 = arith.muli %add3A_256, %mul3A_257 : i32
      %dma_wait3A_259 = tpu.memref_slice %arg8[%mul3A_258] : memref<6400xi32, #tpu.memory_space<vmem>> -> memref<256xi32, #tpu.memory_space<vmem>>
      %dma_wait3A_260 = arith.constant 0 : i32
      %dma_wait3A_261 = arith.constant 0 : i32
      %dma_wait3A_262 = tpu.memref_slice %arg14[%dma_wait3A_260, %dma_wait3A_261] : memref<4096x64xf32, #tpu.memory_space<vmem_shared>> -> memref<4096x64xf32, #tpu.memory_space<vmem_shared>>
      tpu.wait_indirect_dma semaphore(%arg21 : memref<!tpu.dma_semaphore, #tpu.memory_space<semaphore_mem>>) src(%arg11 : memref<256x64xf32, #tpu.memory_space<vmem>>) dst(%dma_wait3A_262 : memref<4096x64xf32, #tpu.memory_space<vmem_shared>>)
      %add3A_263 = arith.constant 4 : i32
      %add3A_264 = arith.addi %mul3A_154, %add3A_263 : i32
      %add3A_265 = arith.constant 2 : i32
      %add3A_266 = arith.addi %add3A_264, %add3A_265 : i32
      %mul3A_267 = arith.constant 256 : i32
      %mul3A_268 = arith.muli %add3A_266, %mul3A_267 : i32
      %dma_start3A_269 = tpu.memref_slice %arg7[%mul3A_268] : memref<6400xi32, #tpu.memory_space<vmem>> -> memref<256xi32, #tpu.memory_space<vmem>>
      %dma_start3A_270 = arith.constant 0 : i32
      %dma_start3A_271 = arith.constant 0 : i32
      %dma_start3A_272 = tpu.memref_slice %arg5[%dma_start3A_270, %dma_start3A_271] : memref<100000x64xf32, #tpu.memory_space<hbm>> -> memref<100000x64xf32, #tpu.memory_space<hbm>>
      tpu.enqueue_indirect_dma source(%dma_start3A_272 : memref<100000x64xf32, #tpu.memory_space<hbm>>) target(%arg11 : memref<256x64xf32, #tpu.memory_space<vmem>>) offsets(%dma_start3A_269 : memref<256xi32, #tpu.memory_space<vmem>>) semaphore(%arg17 : memref<!tpu.dma_semaphore, #tpu.memory_space<semaphore_mem>>)
      %add3A_273 = arith.constant 3 : i32
      %add3A_274 = arith.addi %mul3A_154, %add3A_273 : i32
      %mul3A_275 = arith.constant 256 : i32
      %mul3A_276 = arith.muli %add3A_274, %mul3A_275 : i32
      %dma_wait3A_277 = tpu.memref_slice %arg8[%mul3A_276] : memref<6400xi32, #tpu.memory_space<vmem>> -> memref<256xi32, #tpu.memory_space<vmem>>
      %dma_wait3A_278 = arith.constant 0 : i32
      %dma_wait3A_279 = arith.constant 0 : i32
      %dma_wait3A_280 = tpu.memref_slice %arg14[%dma_wait3A_278, %dma_wait3A_279] : memref<4096x64xf32, #tpu.memory_space<vmem_shared>> -> memref<4096x64xf32, #tpu.memory_space<vmem_shared>>
      tpu.wait_indirect_dma semaphore(%arg22 : memref<!tpu.dma_semaphore, #tpu.memory_space<semaphore_mem>>) src(%arg12 : memref<256x64xf32, #tpu.memory_space<vmem>>) dst(%dma_wait3A_280 : memref<4096x64xf32, #tpu.memory_space<vmem_shared>>)
      %add3A_281 = arith.constant 4 : i32
      %add3A_282 = arith.addi %mul3A_154, %add3A_281 : i32
      %add3A_283 = arith.constant 3 : i32
      %add3A_284 = arith.addi %add3A_282, %add3A_283 : i32
      %mul3A_285 = arith.constant 256 : i32
      %mul3A_286 = arith.muli %add3A_284, %mul3A_285 : i32
      %dma_start3A_287 = tpu.memref_slice %arg7[%mul3A_286] : memref<6400xi32, #tpu.memory_space<vmem>> -> memref<256xi32, #tpu.memory_space<vmem>>
      %dma_start3A_288 = arith.constant 0 : i32
      %dma_start3A_289 = arith.constant 0 : i32
      %dma_start3A_290 = tpu.memref_slice %arg5[%dma_start3A_288, %dma_start3A_289] : memref<100000x64xf32, #tpu.memory_space<hbm>> -> memref<100000x64xf32, #tpu.memory_space<hbm>>
      tpu.enqueue_indirect_dma source(%dma_start3A_290 : memref<100000x64xf32, #tpu.memory_space<hbm>>) target(%arg12 : memref<256x64xf32, #tpu.memory_space<vmem>>) offsets(%dma_start3A_287 : memref<256xi32, #tpu.memory_space<vmem>>) semaphore(%arg18 : memref<!tpu.dma_semaphore, #tpu.memory_space<semaphore_mem>>)
    }
    %scan3A_48 = arith.constant 5 : i32
    %dma_wait3A_49 = arith.constant 5120 : i32
    %dma_wait3A_50 = tpu.memref_slice %arg7[%dma_wait3A_49] : memref<6400xi32, #tpu.memory_space<vmem>> -> memref<256xi32, #tpu.memory_space<vmem>>
    %dma_wait3A_51 = arith.constant 0 : i32
    %dma_wait3A_52 = arith.constant 0 : i32
    %dma_wait3A_53 = tpu.memref_slice %arg5[%dma_wait3A_51, %dma_wait3A_52] : memref<100000x64xf32, #tpu.memory_space<hbm>> -> memref<100000x64xf32, #tpu.memory_space<hbm>>
    tpu.wait_indirect_dma semaphore(%arg15 : memref<!tpu.dma_semaphore, #tpu.memory_space<semaphore_mem>>) src(%dma_wait3A_53 : memref<100000x64xf32, #tpu.memory_space<hbm>>) dst(%arg9 : memref<256x64xf32, #tpu.memory_space<vmem>>)
    %dma_start3A_54 = arith.constant 5120 : i32
    %dma_start3A_55 = tpu.memref_slice %arg8[%dma_start3A_54] : memref<6400xi32, #tpu.memory_space<vmem>> -> memref<256xi32, #tpu.memory_space<vmem>>
    %dma_start3A_56 = arith.constant 0 : i32
    %dma_start3A_57 = arith.constant 0 : i32
    %dma_start3A_58 = tpu.memref_slice %arg14[%dma_start3A_56, %dma_start3A_57] : memref<4096x64xf32, #tpu.memory_space<vmem_shared>> -> memref<4096x64xf32, #tpu.memory_space<vmem_shared>>
    tpu.enqueue_indirect_dma source(%arg9 : memref<256x64xf32, #tpu.memory_space<vmem>>) target(%dma_start3A_58 : memref<4096x64xf32, #tpu.memory_space<vmem_shared>>) offsets(%dma_start3A_55 : memref<256xi32, #tpu.memory_space<vmem>>) semaphore(%arg19 : memref<!tpu.dma_semaphore, #tpu.memory_space<semaphore_mem>>) {add = true}
    %dma_wait3A_59 = arith.constant 5376 : i32
    %dma_wait3A_60 = tpu.memref_slice %arg7[%dma_wait3A_59] : memref<6400xi32, #tpu.memory_space<vmem>> -> memref<256xi32, #tpu.memory_space<vmem>>
    %dma_wait3A_61 = arith.constant 0 : i32
    %dma_wait3A_62 = arith.constant 0 : i32
    %dma_wait3A_63 = tpu.memref_slice %arg5[%dma_wait3A_61, %dma_wait3A_62] : memref<100000x64xf32, #tpu.memory_space<hbm>> -> memref<100000x64xf32, #tpu.memory_space<hbm>>
    tpu.wait_indirect_dma semaphore(%arg16 : memref<!tpu.dma_semaphore, #tpu.memory_space<semaphore_mem>>) src(%dma_wait3A_63 : memref<100000x64xf32, #tpu.memory_space<hbm>>) dst(%arg10 : memref<256x64xf32, #tpu.memory_space<vmem>>)
    %dma_start3A_64 = arith.constant 5376 : i32
    %dma_start3A_65 = tpu.memref_slice %arg8[%dma_start3A_64] : memref<6400xi32, #tpu.memory_space<vmem>> -> memref<256xi32, #tpu.memory_space<vmem>>
    %dma_start3A_66 = arith.constant 0 : i32
    %dma_start3A_67 = arith.constant 0 : i32
    %dma_start3A_68 = tpu.memref_slice %arg14[%dma_start3A_66, %dma_start3A_67] : memref<4096x64xf32, #tpu.memory_space<vmem_shared>> -> memref<4096x64xf32, #tpu.memory_space<vmem_shared>>
    tpu.enqueue_indirect_dma source(%arg10 : memref<256x64xf32, #tpu.memory_space<vmem>>) target(%dma_start3A_68 : memref<4096x64xf32, #tpu.memory_space<vmem_shared>>) offsets(%dma_start3A_65 : memref<256xi32, #tpu.memory_space<vmem>>) semaphore(%arg20 : memref<!tpu.dma_semaphore, #tpu.memory_space<semaphore_mem>>) {add = true}
    %dma_wait3A_69 = arith.constant 5632 : i32
    %dma_wait3A_70 = tpu.memref_slice %arg7[%dma_wait3A_69] : memref<6400xi32, #tpu.memory_space<vmem>> -> memref<256xi32, #tpu.memory_space<vmem>>
    %dma_wait3A_71 = arith.constant 0 : i32
    %dma_wait3A_72 = arith.constant 0 : i32
    %dma_wait3A_73 = tpu.memref_slice %arg5[%dma_wait3A_71, %dma_wait3A_72] : memref<100000x64xf32, #tpu.memory_space<hbm>> -> memref<100000x64xf32, #tpu.memory_space<hbm>>
    tpu.wait_indirect_dma semaphore(%arg17 : memref<!tpu.dma_semaphore, #tpu.memory_space<semaphore_mem>>) src(%dma_wait3A_73 : memref<100000x64xf32, #tpu.memory_space<hbm>>) dst(%arg11 : memref<256x64xf32, #tpu.memory_space<vmem>>)
    %dma_start3A_74 = arith.constant 5632 : i32
    %dma_start3A_75 = tpu.memref_slice %arg8[%dma_start3A_74] : memref<6400xi32, #tpu.memory_space<vmem>> -> memref<256xi32, #tpu.memory_space<vmem>>
    %dma_start3A_76 = arith.constant 0 : i32
    %dma_start3A_77 = arith.constant 0 : i32
    %dma_start3A_78 = tpu.memref_slice %arg14[%dma_start3A_76, %dma_start3A_77] : memref<4096x64xf32, #tpu.memory_space<vmem_shared>> -> memref<4096x64xf32, #tpu.memory_space<vmem_shared>>
    tpu.enqueue_indirect_dma source(%arg11 : memref<256x64xf32, #tpu.memory_space<vmem>>) target(%dma_start3A_78 : memref<4096x64xf32, #tpu.memory_space<vmem_shared>>) offsets(%dma_start3A_75 : memref<256xi32, #tpu.memory_space<vmem>>) semaphore(%arg21 : memref<!tpu.dma_semaphore, #tpu.memory_space<semaphore_mem>>) {add = true}
    %dma_wait3A_79 = arith.constant 5888 : i32
    %dma_wait3A_80 = tpu.memref_slice %arg7[%dma_wait3A_79] : memref<6400xi32, #tpu.memory_space<vmem>> -> memref<256xi32, #tpu.memory_space<vmem>>
    %dma_wait3A_81 = arith.constant 0 : i32
    %dma_wait3A_82 = arith.constant 0 : i32
    %dma_wait3A_83 = tpu.memref_slice %arg5[%dma_wait3A_81, %dma_wait3A_82] : memref<100000x64xf32, #tpu.memory_space<hbm>> -> memref<100000x64xf32, #tpu.memory_space<hbm>>
    tpu.wait_indirect_dma semaphore(%arg18 : memref<!tpu.dma_semaphore, #tpu.memory_space<semaphore_mem>>) src(%dma_wait3A_83 : memref<100000x64xf32, #tpu.memory_space<hbm>>) dst(%arg12 : memref<256x64xf32, #tpu.memory_space<vmem>>)
    %dma_start3A_84 = arith.constant 5888 : i32
    %dma_start3A_85 = tpu.memref_slice %arg8[%dma_start3A_84] : memref<6400xi32, #tpu.memory_space<vmem>> -> memref<256xi32, #tpu.memory_space<vmem>>
    %dma_start3A_86 = arith.constant 0 : i32
    %dma_start3A_87 = arith.constant 0 : i32
    %dma_start3A_88 = tpu.memref_slice %arg14[%dma_start3A_86, %dma_start3A_87] : memref<4096x64xf32, #tpu.memory_space<vmem_shared>> -> memref<4096x64xf32, #tpu.memory_space<vmem_shared>>
    tpu.enqueue_indirect_dma source(%arg12 : memref<256x64xf32, #tpu.memory_space<vmem>>) target(%dma_start3A_88 : memref<4096x64xf32, #tpu.memory_space<vmem_shared>>) offsets(%dma_start3A_85 : memref<256xi32, #tpu.memory_space<vmem>>) semaphore(%arg22 : memref<!tpu.dma_semaphore, #tpu.memory_space<semaphore_mem>>) {add = true}
    %dma_wait3A_89 = arith.constant 5120 : i32
    %dma_wait3A_90 = tpu.memref_slice %arg8[%dma_wait3A_89] : memref<6400xi32, #tpu.memory_space<vmem>> -> memref<256xi32, #tpu.memory_space<vmem>>
    %dma_wait3A_91 = arith.constant 0 : i32
    %dma_wait3A_92 = arith.constant 0 : i32
    %dma_wait3A_93 = tpu.memref_slice %arg14[%dma_wait3A_91, %dma_wait3A_92] : memref<4096x64xf32, #tpu.memory_space<vmem_shared>> -> memref<4096x64xf32, #tpu.memory_space<vmem_shared>>
    tpu.wait_indirect_dma semaphore(%arg19 : memref<!tpu.dma_semaphore, #tpu.memory_space<semaphore_mem>>) src(%arg9 : memref<256x64xf32, #tpu.memory_space<vmem>>) dst(%dma_wait3A_93 : memref<4096x64xf32, #tpu.memory_space<vmem_shared>>)
    %dma_start3A_94 = arith.constant 6144 : i32
    %dma_start3A_95 = tpu.memref_slice %arg7[%dma_start3A_94] : memref<6400xi32, #tpu.memory_space<vmem>> -> memref<256xi32, #tpu.memory_space<vmem>>
    %dma_start3A_96 = arith.constant 0 : i32
    %dma_start3A_97 = arith.constant 0 : i32
    %dma_start3A_98 = tpu.memref_slice %arg5[%dma_start3A_96, %dma_start3A_97] : memref<100000x64xf32, #tpu.memory_space<hbm>> -> memref<100000x64xf32, #tpu.memory_space<hbm>>
    tpu.enqueue_indirect_dma source(%dma_start3A_98 : memref<100000x64xf32, #tpu.memory_space<hbm>>) target(%arg9 : memref<256x64xf32, #tpu.memory_space<vmem>>) offsets(%dma_start3A_95 : memref<256xi32, #tpu.memory_space<vmem>>) semaphore(%arg15 : memref<!tpu.dma_semaphore, #tpu.memory_space<semaphore_mem>>)
    %dma_wait3A_99 = arith.constant 5376 : i32
    %dma_wait3A_100 = tpu.memref_slice %arg8[%dma_wait3A_99] : memref<6400xi32, #tpu.memory_space<vmem>> -> memref<256xi32, #tpu.memory_space<vmem>>
    %dma_wait3A_101 = arith.constant 0 : i32
    %dma_wait3A_102 = arith.constant 0 : i32
    %dma_wait3A_103 = tpu.memref_slice %arg14[%dma_wait3A_101, %dma_wait3A_102] : memref<4096x64xf32, #tpu.memory_space<vmem_shared>> -> memref<4096x64xf32, #tpu.memory_space<vmem_shared>>
    tpu.wait_indirect_dma semaphore(%arg20 : memref<!tpu.dma_semaphore, #tpu.memory_space<semaphore_mem>>) src(%arg10 : memref<256x64xf32, #tpu.memory_space<vmem>>) dst(%dma_wait3A_103 : memref<4096x64xf32, #tpu.memory_space<vmem_shared>>)
    %dma_wait3A_104 = arith.constant 5632 : i32
    %dma_wait3A_105 = tpu.memref_slice %arg8[%dma_wait3A_104] : memref<6400xi32, #tpu.memory_space<vmem>> -> memref<256xi32, #tpu.memory_space<vmem>>
    %dma_wait3A_106 = arith.constant 0 : i32
    %dma_wait3A_107 = arith.constant 0 : i32
    %dma_wait3A_108 = tpu.memref_slice %arg14[%dma_wait3A_106, %dma_wait3A_107] : memref<4096x64xf32, #tpu.memory_space<vmem_shared>> -> memref<4096x64xf32, #tpu.memory_space<vmem_shared>>
    tpu.wait_indirect_dma semaphore(%arg21 : memref<!tpu.dma_semaphore, #tpu.memory_space<semaphore_mem>>) src(%arg11 : memref<256x64xf32, #tpu.memory_space<vmem>>) dst(%dma_wait3A_108 : memref<4096x64xf32, #tpu.memory_space<vmem_shared>>)
    %dma_wait3A_109 = arith.constant 5888 : i32
    %dma_wait3A_110 = tpu.memref_slice %arg8[%dma_wait3A_109] : memref<6400xi32, #tpu.memory_space<vmem>> -> memref<256xi32, #tpu.memory_space<vmem>>
    %dma_wait3A_111 = arith.constant 0 : i32
    %dma_wait3A_112 = arith.constant 0 : i32
    %dma_wait3A_113 = tpu.memref_slice %arg14[%dma_wait3A_111, %dma_wait3A_112] : memref<4096x64xf32, #tpu.memory_space<vmem_shared>> -> memref<4096x64xf32, #tpu.memory_space<vmem_shared>>
    tpu.wait_indirect_dma semaphore(%arg22 : memref<!tpu.dma_semaphore, #tpu.memory_space<semaphore_mem>>) src(%arg12 : memref<256x64xf32, #tpu.memory_space<vmem>>) dst(%dma_wait3A_113 : memref<4096x64xf32, #tpu.memory_space<vmem_shared>>)
    %dma_wait3A_114 = arith.constant 6144 : i32
    %dma_wait3A_115 = tpu.memref_slice %arg7[%dma_wait3A_114] : memref<6400xi32, #tpu.memory_space<vmem>> -> memref<256xi32, #tpu.memory_space<vmem>>
    %dma_wait3A_116 = arith.constant 0 : i32
    %dma_wait3A_117 = arith.constant 0 : i32
    %dma_wait3A_118 = tpu.memref_slice %arg5[%dma_wait3A_116, %dma_wait3A_117] : memref<100000x64xf32, #tpu.memory_space<hbm>> -> memref<100000x64xf32, #tpu.memory_space<hbm>>
    tpu.wait_indirect_dma semaphore(%arg15 : memref<!tpu.dma_semaphore, #tpu.memory_space<semaphore_mem>>) src(%dma_wait3A_118 : memref<100000x64xf32, #tpu.memory_space<hbm>>) dst(%arg9 : memref<256x64xf32, #tpu.memory_space<vmem>>)
    %dma_start3A_119 = arith.constant 6144 : i32
    %dma_start3A_120 = tpu.memref_slice %arg8[%dma_start3A_119] : memref<6400xi32, #tpu.memory_space<vmem>> -> memref<256xi32, #tpu.memory_space<vmem>>
    %dma_start3A_121 = arith.constant 0 : i32
    %dma_start3A_122 = arith.constant 0 : i32
    %dma_start3A_123 = tpu.memref_slice %arg14[%dma_start3A_121, %dma_start3A_122] : memref<4096x64xf32, #tpu.memory_space<vmem_shared>> -> memref<4096x64xf32, #tpu.memory_space<vmem_shared>>
    tpu.enqueue_indirect_dma source(%arg9 : memref<256x64xf32, #tpu.memory_space<vmem>>) target(%dma_start3A_123 : memref<4096x64xf32, #tpu.memory_space<vmem_shared>>) offsets(%dma_start3A_120 : memref<256xi32, #tpu.memory_space<vmem>>) semaphore(%arg19 : memref<!tpu.dma_semaphore, #tpu.memory_space<semaphore_mem>>) {add = true}
    %dma_wait3A_124 = arith.constant 6144 : i32
    %dma_wait3A_125 = tpu.memref_slice %arg8[%dma_wait3A_124] : memref<6400xi32, #tpu.memory_space<vmem>> -> memref<256xi32, #tpu.memory_space<vmem>>
    %dma_wait3A_126 = arith.constant 0 : i32
    %dma_wait3A_127 = arith.constant 0 : i32
    %dma_wait3A_128 = tpu.memref_slice %arg14[%dma_wait3A_126, %dma_wait3A_127] : memref<4096x64xf32, #tpu.memory_space<vmem_shared>> -> memref<4096x64xf32, #tpu.memory_space<vmem_shared>>
    tpu.wait_indirect_dma semaphore(%arg19 : memref<!tpu.dma_semaphore, #tpu.memory_space<semaphore_mem>>) src(%arg9 : memref<256x64xf32, #tpu.memory_space<vmem>>) dst(%dma_wait3A_128 : memref<4096x64xf32, #tpu.memory_space<vmem_shared>>)
    %barrier3A_129 = arith.constant 0 : index
    tpu.barrier barrier_id(%barrier3A_129)
    %add3A_130 = arith.constant 0 : i32
    %add3A_131 = arith.addi %mul3A_4, %add3A_130 : i32
    "tpu.region"() ({
      %run_scoped3A = tpu.sem_alloc : memref<!tpu.dma_semaphore, #tpu.memory_space<semaphore_mem>>
      %dma_start3A_152 = arith.constant 0 : i32
      %dma_start3A_153 = tpu.memref_slice %arg14[%add3A_131, %dma_start3A_152] : memref<4096x64xf32, #tpu.memory_space<vmem_shared>> -> memref<256x64xf32, #tpu.memory_space<vmem_shared>>
      %dma_start3A_154 = arith.constant 0 : i32
      %dma_start3A_155 = tpu.memref_slice %arg14[%add3A_131, %dma_start3A_154] : memref<4096x64xf32, #tpu.memory_space<vmem_shared>> -> memref<256x64xf32, #tpu.memory_space<vmem_shared>>
      tpu.enqueue_dma source(%dma_start3A_155 : memref<256x64xf32, #tpu.memory_space<vmem_shared>>) target(%arg9 : memref<256x64xf32, #tpu.memory_space<vmem>>) target_semaphore(%run_scoped3A : memref<!tpu.dma_semaphore, #tpu.memory_space<semaphore_mem>>)
      %dma_wait3A_156 = arith.constant 0 : i32
      %dma_wait3A_157 = tpu.memref_slice %arg14[%add3A_131, %dma_wait3A_156] : memref<4096x64xf32, #tpu.memory_space<vmem_shared>> -> memref<256x64xf32, #tpu.memory_space<vmem_shared>>
      %dma_wait3A_158 = arith.constant 0 : i32
      %dma_wait3A_159 = tpu.memref_slice %arg14[%add3A_131, %dma_wait3A_158] : memref<4096x64xf32, #tpu.memory_space<vmem_shared>> -> memref<256x64xf32, #tpu.memory_space<vmem_shared>>
      tpu.wait_dma2 semaphore(%run_scoped3A : memref<!tpu.dma_semaphore, #tpu.memory_space<semaphore_mem>>) src(%dma_wait3A_159 : memref<256x64xf32, #tpu.memory_space<vmem_shared>>) dst(%arg9 : memref<256x64xf32, #tpu.memory_space<vmem>>)
      tpu.yield
    }) : () -> ()
    %scan3A_132 = arith.constant 0 : i32
    %scan3A_133 = arith.constant 0 : i32
    %scan3A_134 = arith.constant 256 : i32
    %scan3A_135 = arith.addi %scan3A_133, %scan3A_134 : i32
    %scan3A_136 = arith.constant 1 : i32
    scf.for %scan3A_152 = %scan3A_133 to %scan3A_135 step %scan3A_136  : i32 {
      %add3A_153 = arith.constant 0 : i32
      %add3A_154 = arith.addi %add3A_153, %scan3A_152 : i32
      %broadcast_in_dim3A_155 = vector.broadcast %add3A_154 : i32 to vector<16xi32>
      %gather3A = tpu.vector_load_idx %arg13[%broadcast_in_dim3A_155] : memref<256xf32, #tpu.memory_space<vmem>>[vector<16xi32>], vector<16xf32>,
      %get3A = arith.index_cast %scan3A_152 : i32 to index
      %get3A_156 = arith.constant 0 : index
      %get3A_157 = tpu.vector_load %arg9[%get3A, %get3A_156] {strides = array<i32>} : memref<256x64xf32, #tpu.memory_space<vmem>>, vector<16xf32>,
      %mul3A_158 = arith.mulf %get3A_157, %gather3A : vector<16xf32>
      %swap3A = arith.index_cast %scan3A_152 : i32 to index
      %swap3A_159 = arith.constant 0 : index
      %swap3A_160 = tpu.vector_load %arg9[%swap3A, %swap3A_159] {strides = array<i32>} : memref<256x64xf32, #tpu.memory_space<vmem>>, vector<16xf32>,
      tpu.vector_store %arg9[%swap3A, %swap3A_159], %mul3A_158 {strides = array<i32>} : memref<256x64xf32, #tpu.memory_space<vmem>>, vector<16xf32>,
      %get3A_161 = arith.index_cast %scan3A_152 : i32 to index
      %get3A_162 = arith.constant 16 : index
      %get3A_163 = tpu.vector_load %arg9[%get3A_161, %get3A_162] {strides = array<i32>} : memref<256x64xf32, #tpu.memory_space<vmem>>, vector<16xf32>,
      %mul3A_164 = arith.mulf %get3A_163, %gather3A : vector<16xf32>
      %swap3A_165 = arith.index_cast %scan3A_152 : i32 to index
      %swap3A_166 = arith.constant 16 : index
      %swap3A_167 = tpu.vector_load %arg9[%swap3A_165, %swap3A_166] {strides = array<i32>} : memref<256x64xf32, #tpu.memory_space<vmem>>, vector<16xf32>,
      tpu.vector_store %arg9[%swap3A_165, %swap3A_166], %mul3A_164 {strides = array<i32>} : memref<256x64xf32, #tpu.memory_space<vmem>>, vector<16xf32>,
      %get3A_168 = arith.index_cast %scan3A_152 : i32 to index
      %get3A_169 = arith.constant 32 : index
      %get3A_170 = tpu.vector_load %arg9[%get3A_168, %get3A_169] {strides = array<i32>} : memref<256x64xf32, #tpu.memory_space<vmem>>, vector<16xf32>,
      %mul3A_171 = arith.mulf %get3A_170, %gather3A : vector<16xf32>
      %swap3A_172 = arith.index_cast %scan3A_152 : i32 to index
      %swap3A_173 = arith.constant 32 : index
      %swap3A_174 = tpu.vector_load %arg9[%swap3A_172, %swap3A_173] {strides = array<i32>} : memref<256x64xf32, #tpu.memory_space<vmem>>, vector<16xf32>,
      tpu.vector_store %arg9[%swap3A_172, %swap3A_173], %mul3A_171 {strides = array<i32>} : memref<256x64xf32, #tpu.memory_space<vmem>>, vector<16xf32>,
      %get3A_175 = arith.index_cast %scan3A_152 : i32 to index
      %get3A_176 = arith.constant 48 : index
      %get3A_177 = tpu.vector_load %arg9[%get3A_175, %get3A_176] {strides = array<i32>} : memref<256x64xf32, #tpu.memory_space<vmem>>, vector<16xf32>,
      %mul3A_178 = arith.mulf %get3A_177, %gather3A : vector<16xf32>
      %swap3A_179 = arith.index_cast %scan3A_152 : i32 to index
      %swap3A_180 = arith.constant 48 : index
      %swap3A_181 = tpu.vector_load %arg9[%swap3A_179, %swap3A_180] {strides = array<i32>} : memref<256x64xf32, #tpu.memory_space<vmem>>, vector<16xf32>,
      tpu.vector_store %arg9[%swap3A_179, %swap3A_180], %mul3A_178 {strides = array<i32>} : memref<256x64xf32, #tpu.memory_space<vmem>>, vector<16xf32>,
    }
    %scan3A_137 = arith.constant 256 : i32
    %add3A_138 = arith.constant 0 : i32
    %add3A_139 = arith.addi %mul3A_4, %add3A_138 : i32
    %dma_start3A_140 = arith.constant 0 : i32
    %dma_start3A_141 = tpu.memref_slice %arg6[%arg0, %add3A_139, %dma_start3A_140] : memref<2x4096x64xf32, #tpu.memory_space<hbm>> -> memref<1x256x64xf32, #tpu.memory_space<hbm>>
    %dma_start3A_142 = tpu.memref_squeeze %dma_start3A_141 : memref<1x256x64xf32, #tpu.memory_space<hbm>> -> memref<256x64xf32, #tpu.memory_space<hbm>>
    %dma_start3A_143 = arith.constant 0 : i32
    %dma_start3A_144 = tpu.memref_slice %arg6[%arg0, %add3A_139, %dma_start3A_143] : memref<2x4096x64xf32, #tpu.memory_space<hbm>> -> memref<1x256x64xf32, #tpu.memory_space<hbm>>
    %dma_start3A_145 = tpu.memref_squeeze %dma_start3A_144 : memref<1x256x64xf32, #tpu.memory_space<hbm>> -> memref<256x64xf32, #tpu.memory_space<hbm>>
    tpu.enqueue_dma source(%arg9 : memref<256x64xf32, #tpu.memory_space<vmem>>) target(%dma_start3A_145 : memref<256x64xf32, #tpu.memory_space<hbm>>) target_semaphore(%arg23 : memref<!tpu.dma_semaphore, #tpu.memory_space<semaphore_mem>>)
    %dma_wait3A_146 = arith.constant 0 : i32
    %dma_wait3A_147 = tpu.memref_slice %arg6[%arg0, %add3A_139, %dma_wait3A_146] : memref<2x4096x64xf32, #tpu.memory_space<hbm>> -> memref<1x256x64xf32, #tpu.memory_space<hbm>>
    %dma_wait3A_148 = tpu.memref_squeeze %dma_wait3A_147 : memref<1x256x64xf32, #tpu.memory_space<hbm>> -> memref<256x64xf32, #tpu.memory_space<hbm>>
    %dma_wait3A_149 = arith.constant 0 : i32
    %dma_wait3A_150 = tpu.memref_slice %arg6[%arg0, %add3A_139, %dma_wait3A_149] : memref<2x4096x64xf32, #tpu.memory_space<hbm>> -> memref<1x256x64xf32, #tpu.memory_space<hbm>>
    %dma_wait3A_151 = tpu.memref_squeeze %dma_wait3A_150 : memref<1x256x64xf32, #tpu.memory_space<hbm>> -> memref<256x64xf32, #tpu.memory_space<hbm>>
    tpu.wait_dma2 semaphore(%arg23 : memref<!tpu.dma_semaphore, #tpu.memory_space<semaphore_mem>>) src(%arg9 : memref<256x64xf32, #tpu.memory_space<vmem>>) dst(%dma_wait3A_151 : memref<256x64xf32, #tpu.memory_space<hbm>>)
    return
  }
}

module attributes {stable_mosaic.version = 14 : i64} {
  func.func @_tc_body(%arg0: memref<2x4096x64xf32, #tpu.memory_space<vmem>>, %arg1: memref<4x64xf32, #tpu.memory_space<vmem>>, %arg2: memref<4x1xf32, #tpu.memory_space<vmem>>, %arg3: memref<4x4096xf32, #tpu.memory_space<vmem>>) attributes {dimension_semantics = [], scalar_prefetch = 0 : i64, scratch_operands = 0 : i64, tpu.core_type = #tpu.core_type<tc>} {
    %get3A = arith.constant 0 : index
    %get3A_0 = arith.constant 0 : index
    %get3A_1 = arith.constant 0 : index
    %get3A_2 = vector.load %arg0[%get3A, %get3A_0, %get3A_1] : memref<2x4096x64xf32, #tpu.memory_space<vmem>>, vector<1x4096x64xf32>
    %get3A_3 = vector.shape_cast %get3A_2 : vector<1x4096x64xf32> to vector<4096x64xf32>
    %get3A_4 = arith.constant 1 : index
    %get3A_5 = arith.constant 0 : index
    %get3A_6 = arith.constant 0 : index
    %get3A_7 = vector.load %arg0[%get3A_4, %get3A_5, %get3A_6] : memref<2x4096x64xf32, #tpu.memory_space<vmem>>, vector<1x4096x64xf32>
    %get3A_8 = vector.shape_cast %get3A_7 : vector<1x4096x64xf32> to vector<4096x64xf32>
    %add3A = arith.addf %get3A_3, %get3A_8 : vector<4096x64xf32>
    %get3A_9 = arith.constant 0 : index
    %get3A_10 = arith.constant 0 : index
    %get3A_11 = vector.load %arg1[%get3A_9, %get3A_10] : memref<4x64xf32, #tpu.memory_space<vmem>>, vector<4x64xf32>
    %dot_general3A = arith.constant dense<0.000000e+00> : vector<4x4096xf32>
    %dot_general3A_12 = tpu.matmul %get3A_11, %add3A, %dot_general3A {dimension_numbers = #tpu.dot_dimension_numbers<[1], [1], [0], [0], [0, 0, 1, 0], [], []>, transpose_lhs_hint = false} : vector<4x64xf32>, vector<4096x64xf32>, vector<4x4096xf32> -> vector<4x4096xf32>
    %get3A_13 = arith.constant 0 : index
    %get3A_14 = arith.constant 0 : index
    %get3A_15 = vector.load %arg2[%get3A_13, %get3A_14] : memref<4x1xf32, #tpu.memory_space<vmem>>, vector<4x1xf32>
    %add3A_16 = vector.broadcast %get3A_15 : vector<4x1xf32> to vector<4x4096xf32>
    %add3A_17 = arith.addf %dot_general3A_12, %add3A_16 : vector<4x4096xf32>
    %swap3A = arith.constant 0 : index
    %swap3A_18 = arith.constant 0 : index
    %swap3A_19 = vector.load %arg3[%swap3A, %swap3A_18] : memref<4x4096xf32, #tpu.memory_space<vmem>>, vector<4x4096xf32>
    tpu.vector_store %arg3[%swap3A, %swap3A_18], %add3A_17 {strides = array<i32>} : memref<4x4096xf32, #tpu.memory_space<vmem>>, vector<4x4096xf32>,
    return
  }
}

</mosaic_0001>

<sc_bundles>
// kernel: kernel.5.cloned.1.call-start
scs
__scs_entry_jumppad:
0x0: {  	(pc) =	sbr.rel $0x88, $3  }
0x1: {  	(tag) =	ssettag $0x0;
	lr =	simm.s32 $0x1  }
0x2: {  	[smem:$0x3F9C] =	sst lr;
	_ =	strace $0xD0000000  }
0x3: {  	_ = 	snop  }
0x4: {  	_ = 	snop  }
0x5: {  	_ = 	snop  }
0x6: {  	_ = 	snop  }
0x7: {  	_ = 	snop  }
__scs_overlays_trampoline_lowered:
0x8: {  	[smem:$0x3FAB] =	sst s0  }
0x9: {  	[smem:$0x3FAC] =	sst s1  }
0xa: {  	[smem:$0x3FAD] =	sst s2  }
0xb: {  	[smem:$0x3FAE] =	sst s3  }
0xc: {  	[smem:$0x3FAF] =	sst s4  }
0xd: {  	[smem:$0x3FB0] =	sst s5  }
0xe: {  	[smem:$0x3FB1] =	sst s6  }
0xf: {  	[smem:$0x3FB2] =	sst s7  }
0x10: {  	[smem:$0x3FB3] =	sst s8  }
0x11: {  	[smem:$0x3FB4] =	sst s9;
	s0 =	simm.s32 @!p0 $0x0  }
0x12: {  	s1 =	sld [smem:$0x3F9A];
	s0 =	simm.s32 @p0 $0x1  }
0x13: {  	[smem:$0x3FB5] =	sst s0;
	s0 =	simm.s32 @!p1 $0x0  }
0x14: {  	s2 =	sld [smem:$0x3F99];
	s0 =	simm.s32 @p1 $0x1  }
0x15: {  	[smem:$0x3FB6] =	sst s0;
	s0 =	simm.s32 @!p2 $0x0  }
0x16: {  	s3 =	sld [smem:$0x3FDB];
	s0 =	simm.s32 @p2 $0x1  }
0x17: {  	s4 =	simm.s32 $0x1BF5;
	[smem:$0x3FB8] =	sst s0  }
0x18: {  	s0 =	sld [smem:$0x3F9B];
	_ =	swait.ge [sflag:s4], $0x0  }
0x19: {  	s7 =	sld [smem:$0x3F9C]  }
0x1a: {  	s8 =	sadd.s32 $0xFFFFE003, lr  }
0x1b: {  	s9 =	sadd.s32 $0xFFFFFEF7, lr;
	s5 =	simm.s32 $0xFFFFFFFF;
	p2 =	slt.u32 s8, $0xFFFFF086  }
0x1c: {  	p1 =	slt.u32 s9, $0xF7A;
	s5 =	simm.s32 @!p2 $0x0  }
0x1d: {  	s5 =	simm.s32 @p1 $0x1;
	p0 =	seq.s32 s7, s2  }
0x1e: {  	s7 =	smul.u32 @!p0 $0xF7A, s2;
	p2 =	seq.s32 @!p0 s5, $0x0  }
0x1f: {  	s9 =	smul.u32 $0xF7A, s1;
	s8 =	simm.s32 @!p0 $0x1BF5;
	p2 =	por !p2, p0  }
0x20: {  	[sflag:s8] =	ssyncset.s32 @!p0 $0xFFFFF086;
	s6 =	sadd.s32 @!p0 s3, s7;
	s7 =	simm.s32 @!p0 $0x108  }
0x21: {  	s3 =	sadd.s32 s3, s9;
	s6 =	sadd.s32 @!p0 $0x88, s6;
	s7 =	simm.s32 @p2 $0x1082  }
0x22: {  	[simem:s7], [sflag:s8] =	dma.local @!p0 [hbm:s6], $0xF7A  }
0x23: {  	s9 =	sor.u32 $0xD0000000, s2;
	s6 =	simm.s32 $0x108;
	_ =	swait.ge @!p0 [sflag:s8], $0x0  }
0x24: {  	s3 =	sadd.s32 $0x88, s3;
	s6 =	simm.s32 @!p1 $0x1082;
	[sflag:s4] =	ssyncset.s32 $0xFFFFF086  }
0x25: {  	[simem:s6], [sflag:s4] =	dma.local [hbm:s3], $0xF7A  }
0x26: {  	[smem:$0x3F9C] =	sst s1;
	(tag) =	ssettag s2;
	_ =	strace s9  }
0x27: {  	s1 =	sld [smem:$0x3FAC]  }
0x28: {  	s2 =	sld [smem:$0x3FAD]  }
0x29: {  	s4 =	sld [smem:$0x3FAF]  }
0x2a: {  	p0 =	seq.s32 s5, $0x0;
	s5 =	sld [smem:$0x3FB0]  }
0x2b: {  	s6 =	sld [smem:$0x3FB1]  }
0x2c: {  	s7 =	sld [smem:$0x3FB2]  }
0x2d: {  	s3 =	simm.s32 $0x108;
	s8 =	sld [smem:$0x3FB3]  }
0x2e: {  	s3 =	simm.s32 @!p0 $0x1082;
	s9 =	sld [smem:$0x3FB4]  }
0x2f: {  	lr =	sadd.s32 s0, s3;
	s0 =	sld [smem:$0x3FAB]  }
0x30: {  	s3 =	sld [smem:$0x3FAE]  }
0x31: {  	[smem:$0x3FB7] =	sst s10  }
0x32: {  	s10 =	sld [smem:$0x3FB5];
	_ =	sdelay $0x3  }
0x33: {  	p0 =	seq.s32 s10, $0x1;
	s10 =	sld [smem:$0x3FB7];
	_ =	sdelay $0x3  }
0x34: {  	[smem:$0x3FB7] =	sst s10  }
0x35: {  	s10 =	sld [smem:$0x3FB6];
	_ =	sdelay $0x3  }
0x36: {  	p1 =	seq.s32 s10, $0x1;
	s10 =	sld [smem:$0x3FB7];
	_ =	sdelay $0x3  }
0x37: {  	[smem:$0x3FB7] =	sst s10  }
0x38: {  	s10 =	sld [smem:$0x3FB8]  }
0x39: {  	_ = 	snop;
	(pc) =	sbr.ind lr, $3  }
0x3a: {  	_ = 	snop  }
0x3b: {  	_ = 	snop  }
0x3c: {  	p2 =	seq.s32 s10, $0x1;
	s10 =	sld [smem:$0x3FB7]  }
0x3d: {  	_ =	shalt  }
0x3e: {  	_ =	shalt  }
0x3f: {  	_ =	shalt  }
0x40: {  	_ =	shalt  }
0x41: {  	_ =	shalt  }
0x42: {  	_ =	shalt  }
0x43: {  	_ =	shalt  }
0x44: {  	_ =	shalt  }
0x45: {  	_ =	shalt  }
0x46: {  	_ =	shalt  }
0x47: {  	_ =	shalt  }
0x48: {  	_ =	shalt  }
0x49: {  	_ =	shalt  }
0x4a: {  	_ =	shalt  }
0x4b: {  	_ =	shalt  }
0x4c: {  	_ =	shalt  }
0x4d: {  	_ =	shalt  }
0x4e: {  	_ =	shalt  }
0x4f: {  	_ =	shalt  }
0x50: {  	_ =	shalt  }
0x51: {  	_ =	shalt  }
0x52: {  	_ =	shalt  }
0x53: {  	_ =	shalt  }
0x54: {  	_ =	shalt  }
0x55: {  	_ =	shalt  }
0x56: {  	_ =	shalt  }
0x57: {  	_ =	shalt  }
0x58: {  	_ =	shalt  }
0x59: {  	_ =	shalt  }
0x5a: {  	_ =	shalt  }
0x5b: {  	_ =	shalt  }
0x5c: {  	_ =	shalt  }
0x5d: {  	_ =	shalt  }
0x5e: {  	_ =	shalt  }
0x5f: {  	_ =	shalt  }
0x60: {  	_ =	shalt  }
0x61: {  	_ =	shalt  }
0x62: {  	_ =	shalt  }
0x63: {  	_ =	shalt  }
0x64: {  	_ =	shalt  }
0x65: {  	_ =	shalt  }
0x66: {  	_ =	shalt  }
0x67: {  	_ =	shalt  }
0x68: {  	_ =	shalt  }
0x69: {  	_ =	shalt  }
0x6a: {  	_ =	shalt  }
0x6b: {  	_ =	shalt  }
0x6c: {  	_ =	shalt  }
0x6d: {  	_ =	shalt  }
0x6e: {  	_ =	shalt  }
0x6f: {  	_ =	shalt  }
0x70: {  	_ =	shalt  }
0x71: {  	_ =	shalt  }
0x72: {  	_ =	shalt  }
0x73: {  	_ =	shalt  }
0x74: {  	_ =	shalt  }
0x75: {  	_ =	shalt  }
0x76: {  	_ =	shalt  }
0x77: {  	_ =	shalt  }
0x78: {  	_ =	shalt  }
0x79: {  	_ =	shalt  }
0x7a: {  	_ =	shalt  }
0x7b: {  	_ =	shalt  }
0x7c: {  	_ =	shalt  }
0x7d: {  	_ =	shalt  }
0x7e: {  	_ =	shalt  }
0x7f: {  	_ =	shalt  }
0x80: {  	_ =	shalt  }
0x81: {  	_ =	shalt  }
0x82: {  	_ =	shalt  }
0x83: {  	_ =	shalt  }
0x84: {  	_ =	shalt  }
0x85: {  	_ =	shalt  }
0x86: {  	_ =	shalt  }
0x87: {  	_ =	shalt  }
.Lfunc_end0:
.L_simem_size_0:
called_computation_lowered:
.L_overlay_start_0:
0x88: {  	s2 =	sld [smem:$0x3FD9]  }
0x89: {  	s3 =	sld [smem:$0x3FFE];
	_ =	sdelay $0x1  }
0x8a: {  	s1 =	srdreg.scid  }
0x8b: {  	s0 =	sand.u32 $0x1, s1  }
0x8c: {  	s17 =	sshll.u32 s0, $0xA;
	s2 =	sadd.s32 s3, s2  }
0x8d: {  	s2 =	sadd.s32 s2, s17  }
0x8e: {  	[smem:$0x3FC3] =	sst s2  }
0x8f: {  	_ = 	snop  }
0x90: {  	s2 =	sld [smem:$0x3FC8]  }
0x91: {  	s18 =	sld [smem:$0x3FD0];
	(tm) =	ssettm $0x1  }
0x92: {  	s4 =	sld [smem:$0x3FFB];
	_ =	sdelay $0x3  }
0x93: {  	_ =	strace s4  }
0x94: {  	s4 =	sld [smem:$0x3FFC];
	_ =	sdelay $0x3  }
0x95: {  	_ =	strace s4  }
0x96: {  	s4 =	sld [smem:$0x3FFD];
	_ =	sdelay $0x3  }
0x97: {  	_ =	strace s4  }
0x98: {  	_ =	strace $0x8FFFFFFF  }
0x99: {  	s19 =	sld [smem:$0x3FDB];
	_ =	sdelay $0x1  }
0x9a: {  	s5 =	simm.s32 $_scs_section_size  }
0x9b: {  	s6 =	simm.s32 $_size__tile_overlayer_lowered;
	s7 =	simm.s32 $_tile_overlayer_lowered  }
0x9c: {  	s22 =	simm.s32 $0x1BFF;
	s21 =	sshll.u32 s7, $0x1;
	s4 =	sadd.s32 s5, s19  }
0x9d: {  	s8 =	simm.s32 $0x0;
	s20 =	sshll.u32 s6, $0x1;
	s6 =	sadd.s32 s21, s4  }
0x9e: {  	[timem:s8], [sflag:s22] =	dma.local [hbm:s6], s20  }
0x9f: {  	_ =	swait.ge [sflag:s22], s20  }
0xa0: {  	s5 =	ssub.s32 $0x0, s20;
	[sflag:s22] =	ssyncset.done $0x0  }
0xa1: {  	[sflag:s22] =	ssyncadd.s32 s5;
	_ =	sdelay $0x1  }
0xa2: {  	s23 =	simm.s32 $0x1B8B  }
0xa3: {  	_ =	swait.ge [sflag:s23], $0x1  }
0xa4: {  	[sflag:s23] =	ssyncset.done $0x0  }
0xa5: {  	s25 =	simm.s32 $0x1B8E;
	s24 =	sld [smem:$0x3FFE];
	[sflag:s23] =	ssyncadd.s32 $0xFFFFFFFF  }
0xa6: {  	s26 =	simm.s32 $execute0_lowered;
	[smem:$0x3FD2] =	sst s25  }
0xa7: {  	s6 =	sshll.u32 s26, $0x1;
	_ =	strace $0x80000046;
	[dreg:$0x1] =	wrdreg $0xFFFFFFFF  }
0xa8: {  	s28 =	simm.s32 $_size_execute0_lowered;
	s4 =	sadd.s32 s4, s6;
	[dreg:$0x0] =	wrdreg $0x0  }
0xa9: {  	s6 =	sshll.u32 s28, $0x1;
	[dreg:$0x2] =	wrdreg s4  }
0xaa: {  	[dreg:$0x3] =	wrdreg s6  }
0xab: {  	[dreg:$0x4] =	wrdreg $0xC0  }
0xac: {  	_ =	task [dreg:s8], $0x5FFFF  }
0xad: {  	[dreg:$0x1] =	wrdreg $0xFFFFFFFF  }
0xae: {  	[dreg:$0x0] =	wrdreg $0x60  }
0xaf: {  	[dreg:$0x2] =	wrdreg s2  }
0xb0: {  	[dreg:$0x3] =	wrdreg s24  }
0xb1: {  	[dreg:$0x4] =	wrdreg s18  }
0xb2: {  	[dreg:$0x5] =	wrdreg $0x9  }
0xb3: {  	_ =	task.clear_ibuf [dreg:s8], $0x6FFFF;
	_ =	strace $0x90000046  }
0xb4: {  	s29 =	simm.s32 $0x9;
	_ =	strace $0x80000048  }
0xb5: {  	_ =	swait.ge [sflag:s29], $0x1  }
0xb6: {  	[sflag:s29] =	ssyncadd.s32 $0xFFFFFFFF  }
0xb7: {  	_ =	strace $0x90000048  }
0xb8: {  	_ =	sfence  }
0xb9: {  	s30 =	sld [smem:$0x0];
	_ =	sdelay $0x2  }
0xba: {  	s31 =	sshll.u32 s1, $0xD;
	s1 =	sshrl.u32 s1, $0x2  }
0xbb: {  	s3 =	sand.u32 $0x4000, s31;
	s1 =	sadd.s32 s1, s30  }
0xbc: {  	s0 =	sor.u32 s3, s0;
	s1 =	sshll.u32 s1, $0x11  }
0xbd: {  	s0 =	sor.u32 s1, s0  }
0xbe: {  	s0 =	sadd.s32 $0x8F2B, s0  }
0xbf: {  	[sflag:s0] =	ssyncadd.remote.s32 $0x1  }
0xc0: {  	_ =	sfence.sel $0xFFFF  }
0xc1: {  	[dreg:$0x0] =	wrdreg $0xFFFFFFFF;
	(pc) =	sbr.abs _section_cstart, $3  }
0xc2: {  	[dreg:$0x1] =	wrdreg $0xFFFFFFFF  }
0xc3: {  	_ =	task.clear_ibuf [dreg:s8], $0x2FFFF;
	_ =	strace $0x9FFFFFFF  }
0xc4: {  	(tm) =	ssettm $0x7FFFFFFF  }
0xc5: {  	_ =	shalt  }
tec
execute0_lowered:
.L_overlay_start_1:
0x0: {  	(tag) =	ssettag $0x1  }
0x1: {  	s1 =	rddreg [dreg:$0x0];
	s2 =	srdreg.scid  }
0x2: {  	s0 =	stileid.u32;
	s4 =	rddreg [dreg:$0x1]  }
0x3: {  	s6 =	rddreg [dreg:$0x2];
	s3 =	simm.s32 $0x0;
	s11 =	simm.s32 $0x2  }
0x4: {  	s12 =	simm.s32 $0x0;
	s5 =	sand.u32 $0x1, s2;
	s29 =	sshll.u32 s0, $0x1  }
0x5: {  	s2 =	rddreg [dreg:$0x3];
	s7 =	sor.u32 s5, s29;
	s5 =	ssub.s32 $0x2, s5  }
0x6: {  	[smem:$0x7FF] =	sst s3;
	s8 =	smul.u32 $0x1900, s7;
	s10 =	sshrl.u32 s5, $0x1  }
0x7: {  	_ =	strace $0x80000047;
	s31 =	sshll.u32 s7, $0x4;
	s30 =	ssub.s32 s5, s10  }
0x8: {  	s5 =	sshll.u32 s7, $0x7;
	s6 =	sadd.s32 s6, s31;
	s9 =	sshrl.u32 s8, $0x3  }
0x9: {  	v1 =	vimm.s32 $0x0;
	s10 =	simm.s32 $0x2910;
	s7 =	smax.u32 s30, $0x1;
	s4 =	sadd.s32 s9, s4  }
0xa: {  	v2 =	vimm.s32 $0x32000;
	v3 =	vimm.s32 $0x1;
	v0 =	vmov s8;
	s8 =	simm.s32 $0x1;
	s9 =	simm.s32 $0x1010;
	s4 =	sadd.s32 $0x1000, s4  }
.LBB2_1:
0xb: {  	[tilespmem:s3], [sflag:$0x1] =	stream.linear.gather [hbm4b:s1+s3], $0x1000, $0x38;
	[tilespmem:$0x2990] =	vst v63  }
0xc: {  	s14 =	simm.s32 $0x100;
	s13 =	simm.s32 $0x0  }
.LBB2_2:
0xd: {  	p0 =	sne.s32 s14, $0x6300;
	[tilespmem:s13+$0x1040] =	vst v1;
	s15 =	smov.u32 s14;
	s14 =	sadd.s32 $0x100, s14  }
.Ltmp0:
0xe: {  	[tilespmem:s13+$0x1030] =	vst v1;
	(pc) =	sbr.rel @p0 .LBB2_2-.Ltmp0, $3  }
0xf: {  	[tilespmem:s13+$0x1010] =	vst v1  }
0x10: {  	[tilespmem:s13+$0x1020] =	vst v1;
	_ =	sdelay $0x1  }
0x11: {  	s13 =	sshra.s32 s15, $0x2  }
0x12: {  	[tilespmem:s13+$0x1040] =	vst v1  }
0x13: {  	[tilespmem:s13+$0x1030] =	vst v1  }
0x14: {  	[tilespmem:s13+$0x1010] =	vst v1  }
0x15: {  	[tilespmem:s13+$0x1020] =	vst v1  }
0x16: {  	_ =	swait.ge [sflag:s8], $0x1000  }
0x17: {  	[sflag:s8] =	ssyncset.done $0x0  }
0x18: {  	[sflag:s8] =	ssyncadd.s32 $0xFFFFF000  }
0x19: {  	v4 =	vimm.s32 $0x0;
	s13 =	simm.s32 $0x0;
	[tilespmem:$0x1000] =	vst v2  }
.LBB2_4:
0x1a: {  	s14 =	sshra.s32 s13, $0x2  }
0x1b: {  	v5 =	vld [tilespmem:s14+$0x0];
	_ =	sdelay $0x4  }
0x1c: {  	v6 =	vsub.s32 v5, v0  }
0x1d: {  	v7 =	vand.u32 $0x7, v5;
	vm0 =	vlt.u32 v6, $0x1900;
	v6 =	vand.u32 $0xFFFFFFF8, v6  }
0x1e: {  	v6 =	vor.u32 v7, v6;
	_ =	sdelay $0x4  }
0x1f: {  	[tilespmem:v6+s9+$0x0] =	vst.idx.msk vm0, v3  }
0x20: {  	v6 =	vld [tilespmem:s14+$0x10];
	_ =	sdelay $0x4  }
0x21: {  	v7 =	vsub.s32 v6, v0  }
0x22: {  	v8 =	vand.u32 $0x7, v6;
	vm10 =	vlt.u32 v7, $0x1900;
	v7 =	vand.u32 $0xFFFFFFF8, v7  }
0x23: {  	v7 =	vor.u32 v8, v7;
	_ =	sdelay $0x4  }
0x24: {  	[tilespmem:v7+s9+$0x0] =	vst.idx.msk vm10, v3  }
0x25: {  	v7 =	vld [tilespmem:s14+$0x20];
	_ =	sdelay $0x4  }
0x26: {  	v62 =	vsub.s32 v7, v0  }
0x27: {  	v9 =	vand.u32 $0x7, v7;
	vm11 =	vlt.u32 v62, $0x1900;
	v8 =	vand.u32 $0xFFFFFFF8, v62  }
0x28: {  	v8 =	vor.u32 v9, v8;
	_ =	sdelay $0x4  }
0x29: {  	[tilespmem:v8+s9+$0x0] =	vst.idx.msk vm11, v3  }
0x2a: {  	v8 =	vld [tilespmem:s14+$0x30];
	_ =	sdelay $0x4  }
0x2b: {  	v63 =	vsub.s32 v8, v0  }
0x2c: {  	v10 =	vand.u32 $0x7, v8;
	vm12 =	vlt.u32 v63, $0x1900;
	v9 =	vand.u32 $0xFFFFFFF8, v63  }
0x2d: {  	p0 =	sne.s32 s13, $0x3F00;
	vm1 =	vlt.s32 v5, v0;
	v9 =	vor.u32 v10, v9  }
.Ltmp1:
0x2e: {  	v5 =	vsel vm1, $0x1, v1;
	vm13 =	vlt.s32 v6, v0;
	(pc) =	sbr.rel @p0 .LBB2_4-.Ltmp1, $4  }
0x2f: {  	v4 =	vadd.s32 v5, v4;
	v5 =	vsel vm13, $0x1, v1;
	vm14 =	vlt.s32 v7, v0  }
0x30: {  	v4 =	vadd.s32 v5, v4;
	v5 =	vsel vm14, $0x1, v1;
	vm15 =	vlt.s32 v8, v0  }
0x31: {  	v4 =	vadd.s32 v5, v4;
	v6 =	vsel vm15, $0x1, v1  }
0x32: {  	s13 =	sadd.s32 $0x100, s13;
	v4 =	vadd.s32 v6, v4;
	[tilespmem:v9+s9+$0x0] =	vst.idx.msk vm12, v3  }
0x33: {  	s14 =	simm.s32 $0x0;
	(xrf0) =	vadd.scan.msk.s32 $0xffff, v4  }
0x34: {  	v5 =	vld [tilespmem:s14+$0x1010];
	_ =	sdelay $0x3  }
0x35: {  	v4 =	vld [tilespmem:s14+$0x1020]  }
0x36: {  	(xrf0) =	vadd.scan.msk.s32 $0xffff, v5;
	v5, _, _ =	vpop (xrf0)  }
0x37: {  	(v2sf) =	vpush v5, $0xF;
	_ =	sdelay $0x2  }
0x38: {  	(xrf0) =	vadd.scan.msk.s32 $0xffff, v4  }
0x39: {  	v4 =	vld [tilespmem:s14+$0x1030]  }
0x3a: {  	v5, _, _ =	vpop (xrf0)  }
0x3b: {  	(v2sf) =	vpush v5, $0xF;
	_ =	sdelay $0x2  }
0x3c: {  	(xrf0) =	vadd.scan.msk.s32 $0xffff, v4;
	v4, _, _ =	vpop (xrf0)  }
0x3d: {  	(v2sf) =	vpush v4, $0xF  }
0x3e: {  	v6 =	vld [tilespmem:s14+$0x1040];
	_ =	sdelay $0x3  }
0x3f: {  	s13 =	spop (v2sf)  }
0x40: {  	(xrf0) =	vadd.scan.msk.s32 $0xffff, v6;
	s15 =	sadd.s32 $0xFFFFFFFF, s13  }
0x41: {  	v6, _, _ =	vpop (xrf0);
	v5 =	vadd.s32 s15, v5  }
0x42: {  	(v2sf) =	vpush v6, $0xF;
	s13 =	simm.s32 $0x40;
	[tilespmem:s14+$0x1010] =	vst v5  }
0x43: {  	v5 =	vld [tilespmem:s13+$0x1010];
	_ =	sdelay $0x1  }
0x44: {  	s16 =	spop (v2sf)  }
0x45: {  	v7, _, _ =	vpop (xrf0);
	s15 =	sadd.s32 s15, s16  }
0x46: {  	(v2sf) =	vpush v7, $0xF;
	v4 =	vadd.s32 s15, v4  }
0x47: {  	[tilespmem:s14+$0x1020] =	vst v4;
	(xrf0) =	vadd.scan.msk.s32 $0xffff, v5  }
0x48: {  	s30 =	spop (v2sf);
	v4 =	vld [tilespmem:s13+$0x1020]  }
0x49: {  	s15 =	sadd.s32 s30, s15  }
0x4a: {  	v5 =	vadd.s32 s15, v6;
	_ =	sdelay $0x2  }
0x4b: {  	[tilespmem:s14+$0x1030] =	vst v5;
	(xrf0) =	vadd.scan.msk.s32 $0xffff, v4;
	v5, _, _ =	vpop (xrf0)  }
0x4c: {  	v6 =	vld [tilespmem:s13+$0x1030];
	(v2sf) =	vpush v5, $0xF;
	_ =	sdelay $0x1  }
0x4d: {  	s31 =	spop (v2sf)  }
0x4e: {  	s15 =	sadd.s32 s31, s15  }
0x4f: {  	v7 =	vadd.s32 s15, v7  }
0x50: {  	[tilespmem:s14+$0x1040] =	vst v7;
	(xrf0) =	vadd.scan.msk.s32 $0xffff, v6;
	v4, _, _ =	vpop (xrf0)  }
0x51: {  	v6 =	vld [tilespmem:s13+$0x1040];
	(v2sf) =	vpush v4, $0xF  }
0x52: {  	s16 =	spop (v2sf);
	s14 =	simm.s32 $0x200  }
.LBB2_6:
0x53: {  	p0 =	sne.s32 s14, $0x6300  }
0x54: {  	s15 =	sadd.s32 s16, s15;
	s16 =	smov.u32 s14;
	s14 =	sadd.s32 $0x100, s14  }
0x55: {  	v7 =	vadd.s32 s15, v5  }
0x56: {  	[tilespmem:s13+$0x1010] =	vst v7;
	v5, _, _ =	vpop (xrf0);
	(xrf0) =	vadd.scan.msk.s32 $0xffff, v6  }
0x57: {  	s16 =	sshra.s32 s16, $0x2;
	(v2sf) =	vpush v5, $0xF  }
0x58: {  	v6 =	vld [tilespmem:s16+$0x1010];
	_ =	sdelay $0x1  }
0x59: {  	s17 =	spop (v2sf)  }
0x5a: {  	s15 =	sadd.s32 s15, s17  }
0x5b: {  	v4 =	vadd.s32 s15, v4;
	v7, _, _ =	vpop (xrf0)  }
0x5c: {  	(xrf0) =	vadd.scan.msk.s32 $0xffff, v6;
	[tilespmem:s13+$0x1020] =	vst v4;
	(v2sf) =	vpush v7, $0xF  }
0x5d: {  	v4 =	vld [tilespmem:s16+$0x1020];
	_ =	sdelay $0x1  }
0x5e: {  	s17 =	spop (v2sf)  }
0x5f: {  	s15 =	sadd.s32 s17, s15  }
0x60: {  	v6 =	vadd.s32 s15, v5  }
0x61: {  	v5, _, _ =	vpop (xrf0);
	(xrf0) =	vadd.scan.msk.s32 $0xffff, v4;
	[tilespmem:s13+$0x1030] =	vst v6  }
0x62: {  	v6 =	vld [tilespmem:s16+$0x1030];
	(v2sf) =	vpush v5, $0xF;
	_ =	sdelay $0x1  }
0x63: {  	s17 =	spop (v2sf)  }
0x64: {  	s15 =	sadd.s32 s17, s15  }
.Ltmp2:
0x65: {  	v7 =	vadd.s32 s15, v7;
	(pc) =	sbr.rel @p0 .LBB2_6-.Ltmp2, $3  }
0x66: {  	v4, _, _ =	vpop (xrf0);
	(xrf0) =	vadd.scan.msk.s32 $0xffff, v6;
	[tilespmem:s13+$0x1040] =	vst v7;
	s13 =	smov.u32 s16  }
0x67: {  	v6 =	vld [tilespmem:s13+$0x1040];
	(v2sf) =	vpush v4, $0xF;
	_ =	sdelay $0x1  }
0x68: {  	s16 =	spop (v2sf)  }
0x69: {  	_ =	sdelay $0x1  }
0x6a: {  	v7, _, _ =	vpop (xrf0)  }
0x6b: {  	(v2sf) =	vpush v7, $0xF;
	_ =	sdelay $0x9  }
0x6c: {  	(xrf0) =	vadd.scan.msk.s32 $0xffff, v6;
	_ =	sdelay $0x1  }
0x6d: {  	s14 =	sadd.s32 s16, s15  }
0x6e: {  	v5 =	vadd.s32 s14, v5;
	s28 =	spop (v2sf)  }
0x6f: {  	s14 =	sadd.s32 s14, s28;
	s29 =	spop (v2sf)  }
0x70: {  	[tilespmem:s13+$0x1010] =	vst v5;
	v4 =	vadd.s32 s14, v4;
	s14 =	sadd.s32 s29, s14;
	s30 =	spop (v2sf)  }
0x71: {  	v5, _, _ =	vpop (xrf0);
	[tilespmem:s13+$0x1020] =	vst v4;
	v4 =	vadd.s32 s14, v7;
	s14 =	sadd.s32 s30, s14  }
0x72: {  	[tilespmem:s13+$0x1030] =	vst v4;
	v4 =	vadd.s32 s14, v5  }
0x73: {  	[tilespmem:s13+$0x1040] =	vst v4  }
0x74: {  	[hbm4b:s4+s3] =	stream.linear.scatter [tilespmem:s9], [sflag:$0x1], $0x1900, $0x38;
	[tilespmem:$0x2990] =	vst v63  }
0x75: {  	v4 =	vld [tilespmem:s5+$0x0]  }
0x76: {  	v56 =	vld [tilespmem:s5+$0x1];
	_ =	sdelay $0x4  }
0x77: {  	v4 =	vsub.s32 v56, v4  }
0x78: {  	v4 =	vcvt.s32.f32 v4;
	_ =	sdelay $0x1  }
0x79: {  	(erf) = vrcp.f32 v4;
	_ =	sdelay $0x8  }
0x7a: {  	v4 =	vpop (erf)  }
0x7b: {  	[tilespmem:$0x2910] =	vst v4  }
0x7c: {  	v4 =	vld [tilespmem:s5+$0x10]  }
0x7d: {  	v57 =	vld [tilespmem:s5+$0x11];
	_ =	sdelay $0x4  }
0x7e: {  	v4 =	vsub.s32 v57, v4  }
0x7f: {  	v4 =	vcvt.s32.f32 v4;
	_ =	sdelay $0x1  }
0x80: {  	(erf) = vrcp.f32 v4;
	_ =	sdelay $0x8  }
0x81: {  	v4 =	vpop (erf)  }
0x82: {  	[tilespmem:$0x2920] =	vst v4  }
0x83: {  	v4 =	vld [tilespmem:s5+$0x20]  }
0x84: {  	v58 =	vld [tilespmem:s5+$0x21];
	_ =	sdelay $0x4  }
0x85: {  	v4 =	vsub.s32 v58, v4  }
0x86: {  	v4 =	vcvt.s32.f32 v4;
	_ =	sdelay $0x1  }
0x87: {  	(erf) = vrcp.f32 v4;
	_ =	sdelay $0x8  }
0x88: {  	v4 =	vpop (erf)  }
0x89: {  	[tilespmem:$0x2930] =	vst v4  }
0x8a: {  	v4 =	vld [tilespmem:s5+$0x30]  }
0x8b: {  	v59 =	vld [tilespmem:s5+$0x31];
	_ =	sdelay $0x4  }
0x8c: {  	v4 =	vsub.s32 v59, v4  }
0x8d: {  	v4 =	vcvt.s32.f32 v4;
	_ =	sdelay $0x1  }
0x8e: {  	(erf) = vrcp.f32 v4;
	_ =	sdelay $0x8  }
0x8f: {  	v4 =	vpop (erf)  }
0x90: {  	[tilespmem:$0x2940] =	vst v4  }
0x91: {  	v4 =	vld [tilespmem:s5+$0x40]  }
0x92: {  	v60 =	vld [tilespmem:s5+$0x41];
	_ =	sdelay $0x4  }
0x93: {  	v4 =	vsub.s32 v60, v4  }
0x94: {  	v4 =	vcvt.s32.f32 v4;
	_ =	sdelay $0x1  }
0x95: {  	(erf) = vrcp.f32 v4;
	_ =	sdelay $0x8  }
0x96: {  	v4 =	vpop (erf)  }
0x97: {  	[tilespmem:$0x2950] =	vst v4  }
0x98: {  	v4 =	vld [tilespmem:s5+$0x50]  }
0x99: {  	v61 =	vld [tilespmem:s5+$0x51];
	_ =	sdelay $0x4  }
0x9a: {  	v4 =	vsub.s32 v61, v4  }
0x9b: {  	v4 =	vcvt.s32.f32 v4;
	_ =	sdelay $0x1  }
0x9c: {  	(erf) = vrcp.f32 v4;
	_ =	sdelay $0x8  }
0x9d: {  	v4 =	vpop (erf)  }
0x9e: {  	[tilespmem:$0x2960] =	vst v4  }
0x9f: {  	v4 =	vld [tilespmem:s5+$0x60]  }
0xa0: {  	v62 =	vld [tilespmem:s5+$0x61];
	_ =	sdelay $0x4  }
0xa1: {  	v4 =	vsub.s32 v62, v4  }
0xa2: {  	v4 =	vcvt.s32.f32 v4;
	_ =	sdelay $0x1  }
0xa3: {  	(erf) = vrcp.f32 v4;
	_ =	sdelay $0x8  }
0xa4: {  	v4 =	vpop (erf)  }
0xa5: {  	[tilespmem:$0x2970] =	vst v4  }
0xa6: {  	v4 =	vld [tilespmem:s5+$0x70]  }
0xa7: {  	v63 =	vld [tilespmem:s5+$0x71];
	_ =	sdelay $0x2  }
0xa8: {  	(v2sf) =	vpush v5, $0xF;
	_ =	sdelay $0x1  }
0xa9: {  	v4 =	vsub.s32 v63, v4  }
0xaa: {  	v4 =	vcvt.s32.f32 v4;
	_ =	sdelay $0x1  }
0xab: {  	(erf) = vrcp.f32 v4;
	_ =	sdelay $0x8  }
0xac: {  	v4 =	vpop (erf)  }
0xad: {  	s31 =	spop (v2sf);
	[tilespmem:$0x2980] =	vst v4  }
0xae: {  	s12 =	sadd.s32 $0x1, s12;
	_ =	swait.ge [sflag:s8], $0x1900  }
0xaf: {  	p0 =	sne.s32 s12, s7;
	[sflag:s8] =	ssyncset.done $0x0  }
.Ltmp3:
0xb0: {  	[sflag:s8] =	ssyncadd.s32 $0xFFFFE700;
	(pc) =	sbr.rel @p0 .LBB2_1-.Ltmp3, $4  }
0xb1: {  	[hbm4b:s6+s3] =	stream.linear.scatter [tilespmem:s10], [sflag:$0x2], $0x80, $0x38;
	[tilespmem:$0x2990] =	vst v63  }
0xb2: {  	_ =	swait.ge [sflag:s11], $0x80  }
0xb3: {  	[sflag:s11] =	ssyncset.done $0x0  }
0xb4: {  	[sflag:s11] =	ssyncadd.s32 $0xFFFFFF80  }
0xb5: {  	_ =	sfence.sel $0x180000  }
0xb6: {  	[bflag:$0x0] =	sbarrier.arrive $0xFFFF  }
0xb7: {  	p0 =	sne.s32 s0, $0x0;
	_ =	strace $0x90000047  }
0xb8: {  	s0 =	sadd.s32 @!p0 $0x100000, s2;
	[bflag:$0x2] =	sbarrier.arrive $0xFFFF  }
0xb9: {  	[sflag:s0] =	ssyncadd.tile.s32 @!p0 $0x1;
	_ =	shalt  }
.Lfunc_end2:
_tile_overlayer_lowered:
.L_overlay_start_2:
0xba: {  	(tag) =	ssettag $0x2  }
0xbb: {  	s0 =	rddreg [dreg:$0x0];
	s2 =	stileid.u32  }
0xbc: {  	s1 =	rddreg [dreg:$0x1];
	p0 =	sne.s32 s2, $0x0  }
0xbd: {  	s3 =	rddreg [dreg:$0x2];
	[bflag:$0x3] =	sbarrier.arrive $0xFFFF;
	s2 =	simm.s32 @!p0 $0x1C02  }
0xbe: {  	[timem:s3], [sflag:s2] =	dma.local @!p0 [hbm:s0], s1  }
0xbf: {  	s0 =	simm.s32 @!p0 $0x2  }
0xc0: {  	_ =	swait.ge @!p0 [sflag:s0], s1  }
0xc1: {  	s1 =	ssub.s32 @!p0 $0x0, s1;
	[sflag:s0] =	ssyncset.done @!p0 $0x0  }
0xc2: {  	[sflag:s0] =	ssyncadd.s32 @!p0 s1  }
0xc3: {  	[bflag:$0x3] =	sbarrier.arrive $0xFFFF  }
0xc4: {  	_ =	shalt  }

// kernel: kernel.8.cloned.1.call-start
scs
__scs_entry_jumppad:
0x0: {  	(pc) =	sbr.rel $0x88, $3  }
0x1: {  	(tag) =	ssettag $0x0;
	lr =	simm.s32 $0x1  }
0x2: {  	[smem:$0x3F9C] =	sst lr;
	_ =	strace $0xD0000000  }
0x3: {  	_ = 	snop  }
0x4: {  	_ = 	snop  }
0x5: {  	_ = 	snop  }
0x6: {  	_ = 	snop  }
0x7: {  	_ = 	snop  }
__scs_overlays_trampoline_lowered:
0x8: {  	[smem:$0x3FAB] =	sst s0  }
0x9: {  	[smem:$0x3FAC] =	sst s1  }
0xa: {  	[smem:$0x3FAD] =	sst s2  }
0xb: {  	[smem:$0x3FAE] =	sst s3  }
0xc: {  	[smem:$0x3FAF] =	sst s4  }
0xd: {  	[smem:$0x3FB0] =	sst s5  }
0xe: {  	[smem:$0x3FB1] =	sst s6  }
0xf: {  	[smem:$0x3FB2] =	sst s7  }
0x10: {  	[smem:$0x3FB3] =	sst s8  }
0x11: {  	[smem:$0x3FB4] =	sst s9;
	s0 =	simm.s32 @!p0 $0x0  }
0x12: {  	s1 =	sld [smem:$0x3F9A];
	s0 =	simm.s32 @p0 $0x1  }
0x13: {  	[smem:$0x3FB5] =	sst s0;
	s0 =	simm.s32 @!p1 $0x0  }
0x14: {  	s2 =	sld [smem:$0x3F99];
	s0 =	simm.s32 @p1 $0x1  }
0x15: {  	[smem:$0x3FB6] =	sst s0;
	s0 =	simm.s32 @!p2 $0x0  }
0x16: {  	s3 =	sld [smem:$0x3FDB];
	s0 =	simm.s32 @p2 $0x1  }
0x17: {  	s4 =	simm.s32 $0x1BF5;
	[smem:$0x3FB8] =	sst s0  }
0x18: {  	s0 =	sld [smem:$0x3F9B];
	_ =	swait.ge [sflag:s4], $0x0  }
0x19: {  	s7 =	sld [smem:$0x3F9C]  }
0x1a: {  	s8 =	sadd.s32 $0xFFFFE003, lr  }
0x1b: {  	s9 =	sadd.s32 $0xFFFFFEF7, lr;
	s5 =	simm.s32 $0xFFFFFFFF;
	p2 =	slt.u32 s8, $0xFFFFF086  }
0x1c: {  	p1 =	slt.u32 s9, $0xF7A;
	s5 =	simm.s32 @!p2 $0x0  }
0x1d: {  	s5 =	simm.s32 @p1 $0x1;
	p0 =	seq.s32 s7, s2  }
0x1e: {  	s7 =	smul.u32 @!p0 $0xF7A, s2;
	p2 =	seq.s32 @!p0 s5, $0x0  }
0x1f: {  	s9 =	smul.u32 $0xF7A, s1;
	s8 =	simm.s32 @!p0 $0x1BF5;
	p2 =	por !p2, p0  }
0x20: {  	[sflag:s8] =	ssyncset.s32 @!p0 $0xFFFFF086;
	s6 =	sadd.s32 @!p0 s3, s7;
	s7 =	simm.s32 @!p0 $0x108  }
0x21: {  	s3 =	sadd.s32 s3, s9;
	s6 =	sadd.s32 @!p0 $0x88, s6;
	s7 =	simm.s32 @p2 $0x1082  }
0x22: {  	[simem:s7], [sflag:s8] =	dma.local @!p0 [hbm:s6], $0xF7A  }
0x23: {  	s9 =	sor.u32 $0xD0000000, s2;
	s6 =	simm.s32 $0x108;
	_ =	swait.ge @!p0 [sflag:s8], $0x0  }
0x24: {  	s3 =	sadd.s32 $0x88, s3;
	s6 =	simm.s32 @!p1 $0x1082;
	[sflag:s4] =	ssyncset.s32 $0xFFFFF086  }
0x25: {  	[simem:s6], [sflag:s4] =	dma.local [hbm:s3], $0xF7A  }
0x26: {  	[smem:$0x3F9C] =	sst s1;
	(tag) =	ssettag s2;
	_ =	strace s9  }
0x27: {  	s1 =	sld [smem:$0x3FAC]  }
0x28: {  	s2 =	sld [smem:$0x3FAD]  }
0x29: {  	s4 =	sld [smem:$0x3FAF]  }
0x2a: {  	p0 =	seq.s32 s5, $0x0;
	s5 =	sld [smem:$0x3FB0]  }
0x2b: {  	s6 =	sld [smem:$0x3FB1]  }
0x2c: {  	s7 =	sld [smem:$0x3FB2]  }
0x2d: {  	s3 =	simm.s32 $0x108;
	s8 =	sld [smem:$0x3FB3]  }
0x2e: {  	s3 =	simm.s32 @!p0 $0x1082;
	s9 =	sld [smem:$0x3FB4]  }
0x2f: {  	lr =	sadd.s32 s0, s3;
	s0 =	sld [smem:$0x3FAB]  }
0x30: {  	s3 =	sld [smem:$0x3FAE]  }
0x31: {  	[smem:$0x3FB7] =	sst s10  }
0x32: {  	s10 =	sld [smem:$0x3FB5];
	_ =	sdelay $0x3  }
0x33: {  	p0 =	seq.s32 s10, $0x1;
	s10 =	sld [smem:$0x3FB7];
	_ =	sdelay $0x3  }
0x34: {  	[smem:$0x3FB7] =	sst s10  }
0x35: {  	s10 =	sld [smem:$0x3FB6];
	_ =	sdelay $0x3  }
0x36: {  	p1 =	seq.s32 s10, $0x1;
	s10 =	sld [smem:$0x3FB7];
	_ =	sdelay $0x3  }
0x37: {  	[smem:$0x3FB7] =	sst s10  }
0x38: {  	s10 =	sld [smem:$0x3FB8]  }
0x39: {  	_ = 	snop;
	(pc) =	sbr.ind lr, $3  }
0x3a: {  	_ = 	snop  }
0x3b: {  	_ = 	snop  }
0x3c: {  	p2 =	seq.s32 s10, $0x1;
	s10 =	sld [smem:$0x3FB7]  }
0x3d: {  	_ =	shalt  }
0x3e: {  	_ =	shalt  }
0x3f: {  	_ =	shalt  }
0x40: {  	_ =	shalt  }
0x41: {  	_ =	shalt  }
0x42: {  	_ =	shalt  }
0x43: {  	_ =	shalt  }
0x44: {  	_ =	shalt  }
0x45: {  	_ =	shalt  }
0x46: {  	_ =	shalt  }
0x47: {  	_ =	shalt  }
0x48: {  	_ =	shalt  }
0x49: {  	_ =	shalt  }
0x4a: {  	_ =	shalt  }
0x4b: {  	_ =	shalt  }
0x4c: {  	_ =	shalt  }
0x4d: {  	_ =	shalt  }
0x4e: {  	_ =	shalt  }
0x4f: {  	_ =	shalt  }
0x50: {  	_ =	shalt  }
0x51: {  	_ =	shalt  }
0x52: {  	_ =	shalt  }
0x53: {  	_ =	shalt  }
0x54: {  	_ =	shalt  }
0x55: {  	_ =	shalt  }
0x56: {  	_ =	shalt  }
0x57: {  	_ =	shalt  }
0x58: {  	_ =	shalt  }
0x59: {  	_ =	shalt  }
0x5a: {  	_ =	shalt  }
0x5b: {  	_ =	shalt  }
0x5c: {  	_ =	shalt  }
0x5d: {  	_ =	shalt  }
0x5e: {  	_ =	shalt  }
0x5f: {  	_ =	shalt  }
0x60: {  	_ =	shalt  }
0x61: {  	_ =	shalt  }
0x62: {  	_ =	shalt  }
0x63: {  	_ =	shalt  }
0x64: {  	_ =	shalt  }
0x65: {  	_ =	shalt  }
0x66: {  	_ =	shalt  }
0x67: {  	_ =	shalt  }
0x68: {  	_ =	shalt  }
0x69: {  	_ =	shalt  }
0x6a: {  	_ =	shalt  }
0x6b: {  	_ =	shalt  }
0x6c: {  	_ =	shalt  }
0x6d: {  	_ =	shalt  }
0x6e: {  	_ =	shalt  }
0x6f: {  	_ =	shalt  }
0x70: {  	_ =	shalt  }
0x71: {  	_ =	shalt  }
0x72: {  	_ =	shalt  }
0x73: {  	_ =	shalt  }
0x74: {  	_ =	shalt  }
0x75: {  	_ =	shalt  }
0x76: {  	_ =	shalt  }
0x77: {  	_ =	shalt  }
0x78: {  	_ =	shalt  }
0x79: {  	_ =	shalt  }
0x7a: {  	_ =	shalt  }
0x7b: {  	_ =	shalt  }
0x7c: {  	_ =	shalt  }
0x7d: {  	_ =	shalt  }
0x7e: {  	_ =	shalt  }
0x7f: {  	_ =	shalt  }
0x80: {  	_ =	shalt  }
0x81: {  	_ =	shalt  }
0x82: {  	_ =	shalt  }
0x83: {  	_ =	shalt  }
0x84: {  	_ =	shalt  }
0x85: {  	_ =	shalt  }
0x86: {  	_ =	shalt  }
0x87: {  	_ =	shalt  }
.Lfunc_end0:
.L_simem_size_0:
called_computation.1_lowered:
.L_overlay_start_0:
0x88: {  	s2 =	sld [smem:$0x3FD9]  }
0x89: {  	s3 =	sld [smem:$0x3FFE];
	_ =	sdelay $0x1  }
0x8a: {  	s1 =	srdreg.scid  }
0x8b: {  	s0 =	sand.u32 $0x1, s1  }
0x8c: {  	s17 =	sshll.u32 s0, $0xA;
	s2 =	sadd.s32 s3, s2  }
0x8d: {  	s2 =	sadd.s32 s2, s17  }
0x8e: {  	[smem:$0x3FC3] =	sst s2  }
0x8f: {  	_ = 	snop  }
0x90: {  	s2 =	sld [smem:$0x3FC9]  }
0x91: {  	s18 =	sld [smem:$0x3FD0];
	(tm) =	ssettm $0x1  }
0x92: {  	s4 =	sld [smem:$0x3FFB];
	_ =	sdelay $0x3  }
0x93: {  	_ =	strace s4  }
0x94: {  	s4 =	sld [smem:$0x3FFC];
	_ =	sdelay $0x3  }
0x95: {  	_ =	strace s4  }
0x96: {  	s4 =	sld [smem:$0x3FFD];
	_ =	sdelay $0x3  }
0x97: {  	_ =	strace s4  }
0x98: {  	_ =	strace $0x8FFFFFFF  }
0x99: {  	s19 =	sld [smem:$0x3FDB];
	_ =	sdelay $0x1  }
0x9a: {  	s5 =	simm.s32 $_scs_section_size  }
0x9b: {  	s6 =	simm.s32 $_size__tile_overlayer_lowered;
	s7 =	simm.s32 $_tile_overlayer_lowered  }
0x9c: {  	s22 =	simm.s32 $0x1BFF;
	s21 =	sshll.u32 s7, $0x1;
	s4 =	sadd.s32 s5, s19  }
0x9d: {  	s8 =	simm.s32 $0x0;
	s20 =	sshll.u32 s6, $0x1;
	s6 =	sadd.s32 s21, s4  }
0x9e: {  	[timem:s8], [sflag:s22] =	dma.local [hbm:s6], s20  }
0x9f: {  	_ =	swait.ge [sflag:s22], s20  }
0xa0: {  	s5 =	ssub.s32 $0x0, s20;
	[sflag:s22] =	ssyncset.done $0x0  }
0xa1: {  	[sflag:s22] =	ssyncadd.s32 s5;
	_ =	sdelay $0x1  }
0xa2: {  	s23 =	simm.s32 $0x1B8B  }
0xa3: {  	_ =	swait.ge [sflag:s23], $0x1  }
0xa4: {  	[sflag:s23] =	ssyncset.done $0x0  }
0xa5: {  	s25 =	simm.s32 $0x1B8E;
	s24 =	sld [smem:$0x3FFE];
	[sflag:s23] =	ssyncadd.s32 $0xFFFFFFFF  }
0xa6: {  	s26 =	simm.s32 $execute0_lowered;
	[smem:$0x3FD2] =	sst s25  }
0xa7: {  	s6 =	sshll.u32 s26, $0x1;
	_ =	strace $0x80000049;
	[dreg:$0x1] =	wrdreg $0xFFFFFFFF  }
0xa8: {  	s28 =	simm.s32 $_size_execute0_lowered;
	s4 =	sadd.s32 s4, s6;
	[dreg:$0x0] =	wrdreg $0x0  }
0xa9: {  	s6 =	sshll.u32 s28, $0x1;
	[dreg:$0x2] =	wrdreg s4  }
0xaa: {  	[dreg:$0x3] =	wrdreg s6  }
0xab: {  	[dreg:$0x4] =	wrdreg $0xC0  }
0xac: {  	_ =	task [dreg:s8], $0x5FFFF  }
0xad: {  	[dreg:$0x1] =	wrdreg $0xFFFFFFFF  }
0xae: {  	[dreg:$0x0] =	wrdreg $0x60  }
0xaf: {  	[dreg:$0x2] =	wrdreg s2  }
0xb0: {  	[dreg:$0x3] =	wrdreg s24  }
0xb1: {  	[dreg:$0x4] =	wrdreg s18  }
0xb2: {  	[dreg:$0x5] =	wrdreg $0x133000  }
0xb3: {  	[dreg:$0x6] =	wrdreg $0x9  }
0xb4: {  	_ =	task.clear_ibuf [dreg:s8], $0x7FFFF;
	_ =	strace $0x90000049  }
0xb5: {  	s29 =	simm.s32 $0x9;
	_ =	strace $0x8000004B  }
0xb6: {  	_ =	swait.ge [sflag:s29], $0x1  }
0xb7: {  	[sflag:s29] =	ssyncadd.s32 $0xFFFFFFFF  }
0xb8: {  	_ =	strace $0x9000004B  }
0xb9: {  	_ =	sfence  }
0xba: {  	s30 =	sld [smem:$0x0];
	_ =	sdelay $0x2  }
0xbb: {  	s31 =	sshll.u32 s1, $0xD;
	s1 =	sshrl.u32 s1, $0x2  }
0xbc: {  	s3 =	sand.u32 $0x4000, s31;
	s1 =	sadd.s32 s1, s30  }
0xbd: {  	s0 =	sor.u32 s3, s0;
	s1 =	sshll.u32 s1, $0x11  }
0xbe: {  	s0 =	sor.u32 s1, s0  }
0xbf: {  	s0 =	sadd.s32 $0x8F2B, s0  }
0xc0: {  	[sflag:s0] =	ssyncadd.remote.s32 $0x1  }
0xc1: {  	_ =	sfence.sel $0xFFFF  }
0xc2: {  	[dreg:$0x0] =	wrdreg $0xFFFFFFFF;
	(pc) =	sbr.abs _section_cstart, $3  }
0xc3: {  	[dreg:$0x1] =	wrdreg $0xFFFFFFFF  }
0xc4: {  	_ =	task.clear_ibuf [dreg:s8], $0x2FFFF;
	_ =	strace $0x9FFFFFFF  }
0xc5: {  	(tm) =	ssettm $0x7FFFFFFF  }
tec
execute0_lowered:
.L_overlay_start_1:
0x0: {  	(tag) =	ssettag $0x1  }
0x1: {  	s0 =	rddreg [dreg:$0x0]  }
0x2: {  	s1 =	rddreg [dreg:$0x1]  }
0x3: {  	s7 =	rddreg [dreg:$0x2]  }
0x4: {  	s2 =	rddreg [dreg:$0x3]  }
0x5: {  	s4 =	srdreg.scid;
	s12 =	stileid.u32  }
0x6: {  	s3 =	simm.s32 $0x0;
	s13 =	simm.s32 $0x3200;
	s14 =	simm.s32 $0xA  }
0x7: {  	s15 =	simm.s32 $0x1;
	s16 =	simm.s32 $0x2;
	s17 =	simm.s32 $0x9  }
0x8: {  	s18 =	simm.s32 $0x100;
	s19 =	simm.s32 $0x7200;
	s21 =	simm.s32 $0xB200  }
0x9: {  	s23 =	simm.s32 $0xF200;
	s25 =	simm.s32 $0x3;
	s28 =	simm.s32 $0x4  }
0xa: {  	s30 =	simm.s32 $0x5;
	s20 =	simm.s32 $0x7;
	s24 =	simm.s32 $0x8  }
0xb: {  	s22 =	simm.s32 $0x0;
	s4 =	sand.u32 $0x1, s4;
	s5 =	sshll.u32 s12, $0x1  }
0xc: {  	[smem:$0x7FF] =	sst s3;
	s8 =	sshll.u32 s12, $0xE;
	s31 =	sshll.u32 s12, $0x5  }
0xd: {  	s12 =	simm.s32 $0x13200;
	s5 =	sor.u32 s4, s5;
	s6 =	sshll.u32 s4, $0x12  }
0xe: {  	_ =	strace $0x8000004A;
	s9 =	ssub.s32 $0x2, s4;
	s4 =	sadd.s32 $0x18DE00, s1  }
0xf: {  	s7 =	sadd.s32 s7, s31;
	s5 =	smul.u32 $0x320, s5;
	s6 =	sor.u32 s8, s6  }
0x10: {  	s11 =	sshrl.u32 s9, $0x1;
	s8 =	sadd.s32 s8, s2;
	s6 =	sshrl.u32 s6, $0x3  }
0x11: {  	s11 =	ssub.s32 s9, s11;
	s10 =	sadd.s32 s5, s1;
	s1 =	sadd.s32 s6, s1  }
0x12: {  	s5 =	sadd.s32 s0, s5;
	s0 =	simm.s32 $0x6;
	s6 =	sadd.s32 $0x1000, s10  }
0x13: {  	v0 =	vimm.f32 $0.0e+00;
	s9 =	sadd.s32 $0x7400, s1;
	s10 =	smax.u32 s11, $0x1;
	s11 =	simm.s32 $0x1900  }
.LBB2_1:
0x14: {  	[tilespmem:s3], [sflag:$0x1] =	stream.linear.gather [hbm4b:s5+s3], $0x1900, $0x38;
	[tilespmem:$0x17300] =	vst v63  }
0x15: {  	_ = 	snop  }
0x16: {  	[tilespmem:s11], [sflag:$0x2] =	stream.linear.gather [hbm4b:s6+s3], $0x1900, $0x38;
	[tilespmem:$0x17300] =	vst v63  }
0x17: {  	s29 =	simm.s32 $0x100;
	s26 =	simm.s32 $0x0  }
0x18: {  	[tilespmem:s12], [sflag:$0x9] =	stream.linear.gather [hbm4b:s7+s3], $0x100, $0x38;
	[tilespmem:$0x17300] =	vst v63  }
.LBB2_2:
0x19: {  	p0 =	sne.s32 s29, $0xFF00;
	[tilespmem:s26+$0x3230] =	vst v0;
	s31 =	smov.u32 s29;
	s29 =	sadd.s32 $0x100, s29  }
.Ltmp0:
0x1a: {  	[tilespmem:s26+$0x3220] =	vst v0;
	(pc) =	sbr.rel @p0 .LBB2_2-.Ltmp0, $3  }
0x1b: {  	[tilespmem:s26+$0x3200] =	vst v0  }
0x1c: {  	[tilespmem:s26+$0x3210] =	vst v0;
	_ =	sdelay $0x1  }
0x1d: {  	s26 =	sshra.s32 s31, $0x2  }
0x1e: {  	[tilespmem:s26+$0x3230] =	vst v0  }
0x1f: {  	[tilespmem:s26+$0x3220] =	vst v0  }
0x20: {  	[tilespmem:s26+$0x3200] =	vst v0  }
0x21: {  	[tilespmem:s26+$0x3210] =	vst v0  }
0x22: {  	[spmem:s8] =	stream.linear.scatter [tilespmem:s13], [sflag:$0xA], $0x4000, $0x38;
	[tilespmem:$0x17300] =	vst v63  }
0x23: {  	_ =	swait.ge [sflag:s14], $0x4000  }
0x24: {  	[sflag:s14] =	ssyncset.done $0x0  }
0x25: {  	[sflag:s14] =	ssyncadd.s32 $0xFFFFC000  }
0x26: {  	_ =	swait.ge [sflag:s15], $0x1900  }
0x27: {  	[sflag:s15] =	ssyncset.done $0x0  }
0x28: {  	[sflag:s15] =	ssyncadd.s32 $0xFFFFE700  }
0x29: {  	_ =	swait.ge [sflag:s16], $0x1900  }
0x2a: {  	[sflag:s16] =	ssyncset.done $0x0  }
0x2b: {  	[sflag:s16] =	ssyncadd.s32 $0xFFFFE700  }
0x2c: {  	_ =	swait.ge [sflag:s17], $0x100  }
0x2d: {  	[sflag:s17] =	ssyncset.done $0x0  }
0x2e: {  	[sflag:s17] =	ssyncadd.s32 $0xFFFFFF00  }
0x2f: {  	s26 =	simm.s32 $0x0;
	[bflag:$0x0] =	sbarrier.arrive $0xFFFF  }
0x30: {  	[tilespmem:s13], [sflag:$0x1] =	stream.indirect.gather [hbm4b:s4+s18], $0x40, s26, s18, $0xb8;
	[tilespmem:$0x17300] =	vst v63  }
0x31: {  	_ = 	snop  }
0x32: {  	[tilespmem:s19], [sflag:$0x2] =	stream.indirect.gather [hbm4b:s4+s18], $0x40, s18, s18, $0xb8;
	[tilespmem:$0x17300] =	vst v63  }
0x33: {  	s1 =	simm.s32 $0x200  }
0x34: {  	[tilespmem:s21], [sflag:$0x3] =	stream.indirect.gather [hbm4b:s4+s18], $0x40, s1, s18, $0xb8;
	[tilespmem:$0x17300] =	vst v63  }
0x35: {  	s1 =	simm.s32 $0x300  }
0x36: {  	[tilespmem:s23], [sflag:$0x4] =	stream.indirect.gather [hbm4b:s4+s18], $0x40, s1, s18, $0xb8;
	[tilespmem:$0x17300] =	vst v63  }
0x37: {  	_ =	swait.ge [sflag:s15], $0x4000  }
0x38: {  	[sflag:s15] =	ssyncset.done $0x0  }
0x39: {  	[sflag:s15] =	ssyncadd.s32 $0xFFFFC000  }
0x3a: {  	[spmem:s2] =	stream.indirect.scatter.add.f32 [tilespmem:s13], [sflag:$0x5], $0x40, s11, s18, $0xb8;
	[tilespmem:$0x17300] =	vst v63  }
0x3b: {  	_ =	swait.ge [sflag:s16], $0x4000  }
0x3c: {  	[sflag:s16] =	ssyncset.done $0x0  }
0x3d: {  	s1 =	simm.s32 $0x1A00;
	[sflag:s16] =	ssyncadd.s32 $0xFFFFC000  }
0x3e: {  	[spmem:s2] =	stream.indirect.scatter.add.f32 [tilespmem:s19], [sflag:$0x6], $0x40, s1, s18, $0xb8;
	[tilespmem:$0x17300] =	vst v63  }
0x3f: {  	_ =	swait.ge [sflag:s25], $0x4000  }
0x40: {  	[sflag:s25] =	ssyncset.done $0x0  }
0x41: {  	s1 =	simm.s32 $0x1B00;
	[sflag:s25] =	ssyncadd.s32 $0xFFFFC000  }
0x42: {  	[spmem:s2] =	stream.indirect.scatter.add.f32 [tilespmem:s21], [sflag:$0x7], $0x40, s1, s18, $0xb8;
	[tilespmem:$0x17300] =	vst v63  }
0x43: {  	_ =	swait.ge [sflag:s28], $0x4000  }
0x44: {  	[sflag:s28] =	ssyncset.done $0x0  }
0x45: {  	s1 =	simm.s32 $0x1C00;
	[sflag:s28] =	ssyncadd.s32 $0xFFFFC000  }
0x46: {  	[spmem:s2] =	stream.indirect.scatter.add.f32 [tilespmem:s23], [sflag:$0x8], $0x40, s1, s18, $0xb8;
	[tilespmem:$0x17300] =	vst v63  }
0x47: {  	_ =	swait.ge [sflag:s30], $0x4000  }
0x48: {  	[sflag:s30] =	ssyncset.done $0x0  }
0x49: {  	s1 =	simm.s32 $0x400;
	[sflag:s30] =	ssyncadd.s32 $0xFFFFC000  }
0x4a: {  	[tilespmem:s13], [sflag:$0x1] =	stream.indirect.gather [hbm4b:s4+s18], $0x40, s1, s18, $0xb8;
	[tilespmem:$0x17300] =	vst v63  }
0x4b: {  	_ =	swait.ge [sflag:s0], $0x4000  }
0x4c: {  	[sflag:s0] =	ssyncset.done $0x0  }
0x4d: {  	s1 =	simm.s32 $0x500;
	[sflag:s0] =	ssyncadd.s32 $0xFFFFC000  }
0x4e: {  	[tilespmem:s19], [sflag:$0x2] =	stream.indirect.gather [hbm4b:s4+s18], $0x40, s1, s18, $0xb8;
	[tilespmem:$0x17300] =	vst v63  }
0x4f: {  	_ =	swait.ge [sflag:s20], $0x4000  }
0x50: {  	[sflag:s20] =	ssyncset.done $0x0  }
0x51: {  	s1 =	simm.s32 $0x600;
	[sflag:s20] =	ssyncadd.s32 $0xFFFFC000  }
0x52: {  	[tilespmem:s21], [sflag:$0x3] =	stream.indirect.gather [hbm4b:s4+s18], $0x40, s1, s18, $0xb8;
	[tilespmem:$0x17300] =	vst v63  }
0x53: {  	_ =	swait.ge [sflag:s24], $0x4000  }
0x54: {  	[sflag:s24] =	ssyncset.done $0x0  }
0x55: {  	s1 =	simm.s32 $0x700;
	[sflag:s24] =	ssyncadd.s32 $0xFFFFC000  }
0x56: {  	[tilespmem:s23], [sflag:$0x4] =	stream.indirect.gather [hbm4b:s4+s18], $0x40, s1, s18, $0xb8;
	[tilespmem:$0x17300] =	vst v63  }
0x57: {  	_ =	swait.ge [sflag:s15], $0x4000  }
0x58: {  	[sflag:s15] =	ssyncset.done $0x0  }
0x59: {  	s1 =	simm.s32 $0x1D00;
	[sflag:s15] =	ssyncadd.s32 $0xFFFFC000  }
0x5a: {  	[spmem:s2] =	stream.indirect.scatter.add.f32 [tilespmem:s13], [sflag:$0x5], $0x40, s1, s18, $0xb8;
	[tilespmem:$0x17300] =	vst v63  }
0x5b: {  	_ =	swait.ge [sflag:s16], $0x4000  }
0x5c: {  	[sflag:s16] =	ssyncset.done $0x0  }
0x5d: {  	s1 =	simm.s32 $0x1E00;
	[sflag:s16] =	ssyncadd.s32 $0xFFFFC000  }
0x5e: {  	[spmem:s2] =	stream.indirect.scatter.add.f32 [tilespmem:s19], [sflag:$0x6], $0x40, s1, s18, $0xb8;
	[tilespmem:$0x17300] =	vst v63  }
0x5f: {  	_ =	swait.ge [sflag:s25], $0x4000  }
0x60: {  	[sflag:s25] =	ssyncset.done $0x0  }
0x61: {  	s1 =	simm.s32 $0x1F00;
	[sflag:s25] =	ssyncadd.s32 $0xFFFFC000  }
0x62: {  	[spmem:s2] =	stream.indirect.scatter.add.f32 [tilespmem:s21], [sflag:$0x7], $0x40, s1, s18, $0xb8;
	[tilespmem:$0x17300] =	vst v63  }
0x63: {  	_ =	swait.ge [sflag:s28], $0x4000  }
0x64: {  	[sflag:s28] =	ssyncset.done $0x0  }
0x65: {  	s1 =	simm.s32 $0x2000;
	[sflag:s28] =	ssyncadd.s32 $0xFFFFC000  }
0x66: {  	[spmem:s2] =	stream.indirect.scatter.add.f32 [tilespmem:s23], [sflag:$0x8], $0x40, s1, s18, $0xb8;
	[tilespmem:$0x17300] =	vst v63  }
0x67: {  	_ =	swait.ge [sflag:s30], $0x4000  }
0x68: {  	[sflag:s30] =	ssyncset.done $0x0  }
0x69: {  	s1 =	simm.s32 $0x800;
	[sflag:s30] =	ssyncadd.s32 $0xFFFFC000  }
0x6a: {  	[tilespmem:s13], [sflag:$0x1] =	stream.indirect.gather [hbm4b:s4+s18], $0x40, s1, s18, $0xb8;
	[tilespmem:$0x17300] =	vst v63  }
0x6b: {  	_ =	swait.ge [sflag:s0], $0x4000  }
0x6c: {  	[sflag:s0] =	ssyncset.done $0x0  }
0x6d: {  	s1 =	simm.s32 $0x900;
	[sflag:s0] =	ssyncadd.s32 $0xFFFFC000  }
0x6e: {  	[tilespmem:s19], [sflag:$0x2] =	stream.indirect.gather [hbm4b:s4+s18], $0x40, s1, s18, $0xb8;
	[tilespmem:$0x17300] =	vst v63  }
0x6f: {  	_ =	swait.ge [sflag:s20], $0x4000  }
0x70: {  	[sflag:s20] =	ssyncset.done $0x0  }
0x71: {  	s1 =	simm.s32 $0xA00;
	[sflag:s20] =	ssyncadd.s32 $0xFFFFC000  }
0x72: {  	[tilespmem:s21], [sflag:$0x3] =	stream.indirect.gather [hbm4b:s4+s18], $0x40, s1, s18, $0xb8;
	[tilespmem:$0x17300] =	vst v63  }
0x73: {  	_ =	swait.ge [sflag:s24], $0x4000  }
0x74: {  	[sflag:s24] =	ssyncset.done $0x0  }
0x75: {  	s1 =	simm.s32 $0xB00;
	[sflag:s24] =	ssyncadd.s32 $0xFFFFC000  }
0x76: {  	[tilespmem:s23], [sflag:$0x4] =	stream.indirect.gather [hbm4b:s4+s18], $0x40, s1, s18, $0xb8;
	[tilespmem:$0x17300] =	vst v63  }
0x77: {  	_ =	swait.ge [sflag:s15], $0x4000  }
0x78: {  	[sflag:s15] =	ssyncset.done $0x0  }
0x79: {  	s1 =	simm.s32 $0x2100;
	[sflag:s15] =	ssyncadd.s32 $0xFFFFC000  }
0x7a: {  	[spmem:s2] =	stream.indirect.scatter.add.f32 [tilespmem:s13], [sflag:$0x5], $0x40, s1, s18, $0xb8;
	[tilespmem:$0x17300] =	vst v63  }
0x7b: {  	_ =	swait.ge [sflag:s16], $0x4000  }
0x7c: {  	[sflag:s16] =	ssyncset.done $0x0  }
0x7d: {  	s1 =	simm.s32 $0x2200;
	[sflag:s16] =	ssyncadd.s32 $0xFFFFC000  }
0x7e: {  	[spmem:s2] =	stream.indirect.scatter.add.f32 [tilespmem:s19], [sflag:$0x6], $0x40, s1, s18, $0xb8;
	[tilespmem:$0x17300] =	vst v63  }
0x7f: {  	_ =	swait.ge [sflag:s25], $0x4000  }
0x80: {  	[sflag:s25] =	ssyncset.done $0x0  }
0x81: {  	s1 =	simm.s32 $0x2300;
	[sflag:s25] =	ssyncadd.s32 $0xFFFFC000  }
0x82: {  	[spmem:s2] =	stream.indirect.scatter.add.f32 [tilespmem:s21], [sflag:$0x7], $0x40, s1, s18, $0xb8;
	[tilespmem:$0x17300] =	vst v63  }
0x83: {  	_ =	swait.ge [sflag:s28], $0x4000  }
0x84: {  	[sflag:s28] =	ssyncset.done $0x0  }
0x85: {  	s1 =	simm.s32 $0x2400;
	[sflag:s28] =	ssyncadd.s32 $0xFFFFC000  }
0x86: {  	[spmem:s2] =	stream.indirect.scatter.add.f32 [tilespmem:s23], [sflag:$0x8], $0x40, s1, s18, $0xb8;
	[tilespmem:$0x17300] =	vst v63  }
0x87: {  	_ =	swait.ge [sflag:s30], $0x4000  }
0x88: {  	[sflag:s30] =	ssyncset.done $0x0  }
0x89: {  	s1 =	simm.s32 $0xC00;
	[sflag:s30] =	ssyncadd.s32 $0xFFFFC000  }
0x8a: {  	[tilespmem:s13], [sflag:$0x1] =	stream.indirect.gather [hbm4b:s4+s18], $0x40, s1, s18, $0xb8;
	[tilespmem:$0x17300] =	vst v63  }
0x8b: {  	_ =	swait.ge [sflag:s0], $0x4000  }
0x8c: {  	[sflag:s0] =	ssyncset.done $0x0  }
0x8d: {  	s1 =	simm.s32 $0xD00;
	[sflag:s0] =	ssyncadd.s32 $0xFFFFC000  }
0x8e: {  	[tilespmem:s19], [sflag:$0x2] =	stream.indirect.gather [hbm4b:s4+s18], $0x40, s1, s18, $0xb8;
	[tilespmem:$0x17300] =	vst v63  }
0x8f: {  	_ =	swait.ge [sflag:s20], $0x4000  }
0x90: {  	[sflag:s20] =	ssyncset.done $0x0  }
0x91: {  	s1 =	simm.s32 $0xE00;
	[sflag:s20] =	ssyncadd.s32 $0xFFFFC000  }
0x92: {  	[tilespmem:s21], [sflag:$0x3] =	stream.indirect.gather [hbm4b:s4+s18], $0x40, s1, s18, $0xb8;
	[tilespmem:$0x17300] =	vst v63  }
0x93: {  	_ =	swait.ge [sflag:s24], $0x4000  }
0x94: {  	[sflag:s24] =	ssyncset.done $0x0  }
0x95: {  	s1 =	simm.s32 $0xF00;
	[sflag:s24] =	ssyncadd.s32 $0xFFFFC000  }
0x96: {  	[tilespmem:s23], [sflag:$0x4] =	stream.indirect.gather [hbm4b:s4+s18], $0x40, s1, s18, $0xb8;
	[tilespmem:$0x17300] =	vst v63  }
0x97: {  	_ =	swait.ge [sflag:s15], $0x4000  }
0x98: {  	[sflag:s15] =	ssyncset.done $0x0  }
0x99: {  	s1 =	simm.s32 $0x2500;
	[sflag:s15] =	ssyncadd.s32 $0xFFFFC000  }
0x9a: {  	[spmem:s2] =	stream.indirect.scatter.add.f32 [tilespmem:s13], [sflag:$0x5], $0x40, s1, s18, $0xb8;
	[tilespmem:$0x17300] =	vst v63  }
0x9b: {  	_ =	swait.ge [sflag:s16], $0x4000  }
0x9c: {  	[sflag:s16] =	ssyncset.done $0x0  }
0x9d: {  	s1 =	simm.s32 $0x2600;
	[sflag:s16] =	ssyncadd.s32 $0xFFFFC000  }
0x9e: {  	[spmem:s2] =	stream.indirect.scatter.add.f32 [tilespmem:s19], [sflag:$0x6], $0x40, s1, s18, $0xb8;
	[tilespmem:$0x17300] =	vst v63  }
0x9f: {  	_ =	swait.ge [sflag:s25], $0x4000  }
0xa0: {  	[sflag:s25] =	ssyncset.done $0x0  }
0xa1: {  	s1 =	simm.s32 $0x2700;
	[sflag:s25] =	ssyncadd.s32 $0xFFFFC000  }
0xa2: {  	[spmem:s2] =	stream.indirect.scatter.add.f32 [tilespmem:s21], [sflag:$0x7], $0x40, s1, s18, $0xb8;
	[tilespmem:$0x17300] =	vst v63  }
0xa3: {  	_ =	swait.ge [sflag:s28], $0x4000  }
0xa4: {  	[sflag:s28] =	ssyncset.done $0x0  }
0xa5: {  	s1 =	simm.s32 $0x2800;
	[sflag:s28] =	ssyncadd.s32 $0xFFFFC000  }
0xa6: {  	[spmem:s2] =	stream.indirect.scatter.add.f32 [tilespmem:s23], [sflag:$0x8], $0x40, s1, s18, $0xb8;
	[tilespmem:$0x17300] =	vst v63  }
0xa7: {  	_ =	swait.ge [sflag:s30], $0x4000  }
0xa8: {  	[sflag:s30] =	ssyncset.done $0x0  }
0xa9: {  	s1 =	simm.s32 $0x1000;
	[sflag:s30] =	ssyncadd.s32 $0xFFFFC000  }
0xaa: {  	[tilespmem:s13], [sflag:$0x1] =	stream.indirect.gather [hbm4b:s4+s18], $0x40, s1, s18, $0xb8;
	[tilespmem:$0x17300] =	vst v63  }
0xab: {  	_ =	swait.ge [sflag:s0], $0x4000  }
0xac: {  	[sflag:s0] =	ssyncset.done $0x0  }
0xad: {  	s1 =	simm.s32 $0x1100;
	[sflag:s0] =	ssyncadd.s32 $0xFFFFC000  }
0xae: {  	[tilespmem:s19], [sflag:$0x2] =	stream.indirect.gather [hbm4b:s4+s18], $0x40, s1, s18, $0xb8;
	[tilespmem:$0x17300] =	vst v63  }
0xaf: {  	_ =	swait.ge [sflag:s20], $0x4000  }
0xb0: {  	[sflag:s20] =	ssyncset.done $0x0  }
0xb1: {  	s1 =	simm.s32 $0x1200;
	[sflag:s20] =	ssyncadd.s32 $0xFFFFC000  }
0xb2: {  	[tilespmem:s21], [sflag:$0x3] =	stream.indirect.gather [hbm4b:s4+s18], $0x40, s1, s18, $0xb8;
	[tilespmem:$0x17300] =	vst v63  }
0xb3: {  	_ =	swait.ge [sflag:s24], $0x4000  }
0xb4: {  	[sflag:s24] =	ssyncset.done $0x0  }
0xb5: {  	s1 =	simm.s32 $0x1300;
	[sflag:s24] =	ssyncadd.s32 $0xFFFFC000  }
0xb6: {  	[tilespmem:s23], [sflag:$0x4] =	stream.indirect.gather [hbm4b:s4+s18], $0x40, s1, s18, $0xb8;
	[tilespmem:$0x17300] =	vst v63  }
0xb7: {  	_ =	swait.ge [sflag:s15], $0x4000  }
0xb8: {  	[sflag:s15] =	ssyncset.done $0x0  }
0xb9: {  	s1 =	simm.s32 $0x2900;
	[sflag:s15] =	ssyncadd.s32 $0xFFFFC000  }
0xba: {  	[spmem:s2] =	stream.indirect.scatter.add.f32 [tilespmem:s13], [sflag:$0x5], $0x40, s1, s18, $0xb8;
	[tilespmem:$0x17300] =	vst v63  }
0xbb: {  	_ =	swait.ge [sflag:s16], $0x4000  }
0xbc: {  	[sflag:s16] =	ssyncset.done $0x0  }
0xbd: {  	s1 =	simm.s32 $0x2A00;
	[sflag:s16] =	ssyncadd.s32 $0xFFFFC000  }
0xbe: {  	[spmem:s2] =	stream.indirect.scatter.add.f32 [tilespmem:s19], [sflag:$0x6], $0x40, s1, s18, $0xb8;
	[tilespmem:$0x17300] =	vst v63  }
0xbf: {  	_ =	swait.ge [sflag:s25], $0x4000  }
0xc0: {  	[sflag:s25] =	ssyncset.done $0x0  }
0xc1: {  	s1 =	simm.s32 $0x2B00;
	[sflag:s25] =	ssyncadd.s32 $0xFFFFC000  }
0xc2: {  	[spmem:s2] =	stream.indirect.scatter.add.f32 [tilespmem:s21], [sflag:$0x7], $0x40, s1, s18, $0xb8;
	[tilespmem:$0x17300] =	vst v63  }
0xc3: {  	_ =	swait.ge [sflag:s28], $0x4000  }
0xc4: {  	[sflag:s28] =	ssyncset.done $0x0  }
0xc5: {  	s1 =	simm.s32 $0x2C00;
	[sflag:s28] =	ssyncadd.s32 $0xFFFFC000  }
0xc6: {  	[spmem:s2] =	stream.indirect.scatter.add.f32 [tilespmem:s23], [sflag:$0x8], $0x40, s1, s18, $0xb8;
	[tilespmem:$0x17300] =	vst v63  }
0xc7: {  	_ =	swait.ge [sflag:s30], $0x4000  }
0xc8: {  	[sflag:s30] =	ssyncset.done $0x0  }
0xc9: {  	s1 =	simm.s32 $0x1400;
	[sflag:s30] =	ssyncadd.s32 $0xFFFFC000  }
0xca: {  	[tilespmem:s13], [sflag:$0x1] =	stream.indirect.gather [hbm4b:s4+s18], $0x40, s1, s18, $0xb8;
	[tilespmem:$0x17300] =	vst v63  }
0xcb: {  	_ =	swait.ge [sflag:s0], $0x4000  }
0xcc: {  	[sflag:s0] =	ssyncset.done $0x0  }
0xcd: {  	s1 =	simm.s32 $0x1500;
	[sflag:s0] =	ssyncadd.s32 $0xFFFFC000  }
0xce: {  	[tilespmem:s19], [sflag:$0x2] =	stream.indirect.gather [hbm4b:s4+s18], $0x40, s1, s18, $0xb8;
	[tilespmem:$0x17300] =	vst v63  }
0xcf: {  	_ =	swait.ge [sflag:s20], $0x4000  }
0xd0: {  	[sflag:s20] =	ssyncset.done $0x0  }
0xd1: {  	s1 =	simm.s32 $0x1600;
	[sflag:s20] =	ssyncadd.s32 $0xFFFFC000  }
0xd2: {  	[tilespmem:s21], [sflag:$0x3] =	stream.indirect.gather [hbm4b:s4+s18], $0x40, s1, s18, $0xb8;
	[tilespmem:$0x17300] =	vst v63  }
0xd3: {  	_ =	swait.ge [sflag:s24], $0x4000  }
0xd4: {  	[sflag:s24] =	ssyncset.done $0x0  }
0xd5: {  	s1 =	simm.s32 $0x1700;
	[sflag:s24] =	ssyncadd.s32 $0xFFFFC000  }
0xd6: {  	[tilespmem:s23], [sflag:$0x4] =	stream.indirect.gather [hbm4b:s4+s18], $0x40, s1, s18, $0xb8;
	[tilespmem:$0x17300] =	vst v63  }
0xd7: {  	_ =	swait.ge [sflag:s15], $0x4000  }
0xd8: {  	[sflag:s15] =	ssyncset.done $0x0  }
0xd9: {  	s1 =	simm.s32 $0x2D00;
	[sflag:s15] =	ssyncadd.s32 $0xFFFFC000  }
0xda: {  	[spmem:s2] =	stream.indirect.scatter.add.f32 [tilespmem:s13], [sflag:$0x5], $0x40, s1, s18, $0xb8;
	[tilespmem:$0x17300] =	vst v63  }
0xdb: {  	_ =	swait.ge [sflag:s16], $0x4000  }
0xdc: {  	[sflag:s16] =	ssyncset.done $0x0  }
0xdd: {  	s1 =	simm.s32 $0x2E00;
	[sflag:s16] =	ssyncadd.s32 $0xFFFFC000  }
0xde: {  	[spmem:s2] =	stream.indirect.scatter.add.f32 [tilespmem:s19], [sflag:$0x6], $0x40, s1, s18, $0xb8;
	[tilespmem:$0x17300] =	vst v63  }
0xdf: {  	_ =	swait.ge [sflag:s25], $0x4000  }
0xe0: {  	[sflag:s25] =	ssyncset.done $0x0  }
0xe1: {  	s1 =	simm.s32 $0x2F00;
	[sflag:s25] =	ssyncadd.s32 $0xFFFFC000  }
0xe2: {  	[spmem:s2] =	stream.indirect.scatter.add.f32 [tilespmem:s21], [sflag:$0x7], $0x40, s1, s18, $0xb8;
	[tilespmem:$0x17300] =	vst v63  }
0xe3: {  	_ =	swait.ge [sflag:s28], $0x4000  }
0xe4: {  	[sflag:s28] =	ssyncset.done $0x0  }
0xe5: {  	s1 =	simm.s32 $0x3000;
	[sflag:s28] =	ssyncadd.s32 $0xFFFFC000  }
0xe6: {  	[spmem:s2] =	stream.indirect.scatter.add.f32 [tilespmem:s23], [sflag:$0x8], $0x40, s1, s18, $0xb8;
	[tilespmem:$0x17300] =	vst v63  }
0xe7: {  	_ =	swait.ge [sflag:s30], $0x4000  }
0xe8: {  	[sflag:s30] =	ssyncset.done $0x0  }
0xe9: {  	s1 =	simm.s32 $0x1800;
	[sflag:s30] =	ssyncadd.s32 $0xFFFFC000  }
0xea: {  	[tilespmem:s13], [sflag:$0x1] =	stream.indirect.gather [hbm4b:s4+s18], $0x40, s1, s18, $0xb8;
	[tilespmem:$0x17300] =	vst v63  }
0xeb: {  	_ =	swait.ge [sflag:s0], $0x4000  }
0xec: {  	[sflag:s0] =	ssyncset.done $0x0  }
0xed: {  	[sflag:s0] =	ssyncadd.s32 $0xFFFFC000  }
0xee: {  	_ =	swait.ge [sflag:s20], $0x4000  }
0xef: {  	[sflag:s20] =	ssyncset.done $0x0  }
0xf0: {  	[sflag:s20] =	ssyncadd.s32 $0xFFFFC000  }
0xf1: {  	_ =	swait.ge [sflag:s24], $0x4000  }
0xf2: {  	[sflag:s24] =	ssyncset.done $0x0  }
0xf3: {  	[sflag:s24] =	ssyncadd.s32 $0xFFFFC000  }
0xf4: {  	_ =	swait.ge [sflag:s15], $0x4000  }
0xf5: {  	[sflag:s15] =	ssyncset.done $0x0  }
0xf6: {  	s1 =	simm.s32 $0x3100;
	[sflag:s15] =	ssyncadd.s32 $0xFFFFC000  }
0xf7: {  	[spmem:s2] =	stream.indirect.scatter.add.f32 [tilespmem:s13], [sflag:$0x5], $0x40, s1, s18, $0xb8;
	[tilespmem:$0x17300] =	vst v63  }
0xf8: {  	_ =	swait.ge [sflag:s30], $0x4000  }
0xf9: {  	[sflag:s30] =	ssyncset.done $0x0  }
0xfa: {  	[sflag:s30] =	ssyncadd.s32 $0xFFFFC000  }
0xfb: {  	[bflag:$0x0] =	sbarrier.arrive $0xFFFF  }
0xfc: {  	[tilespmem:s13], [sflag:$0xA] =	stream.linear.gather [spmem:s8], $0x4000, $0x38;
	[tilespmem:$0x17300] =	vst v63  }
0xfd: {  	v1 =	vmov s26;
	_ =	swait.ge [sflag:s14], $0x4000  }
0xfe: {  	[sflag:s14] =	ssyncset.done $0x0  }
0xff: {  	s26 =	simm.s32 $0x3220;
	[sflag:s14] =	ssyncadd.s32 $0xFFFFC000  }
0x100: {  	v3 =	vld [tilespmem:s26+$0xFFFFFFF0]  }
0x101: {  	v4 =	vld [tilespmem:s26+$0x10]  }
0x102: {  	v6 =	vld.idx.msk [tilespmem:v1+s12+$0x0], $0xffff  }
0x103: {  	v1 =	vld [tilespmem:s26+$0xFFFFFFE0]  }
0x104: {  	v7 =	vld [tilespmem:s26+$0x0];
	_ =	sdelay $0x3  }
0x105: {  	s31 =	simm.s32 $0x1;
	v2 =	vmul.f32 v1, v6;
	v5 =	vmul.f32 v4, v6  }
0x106: {  	s29 =	simm.s32 $0x2;
	v1 =	vmov s31;
	v4 =	vmul.f32 v3, v6;
	v3 =	vmul.f32 v7, v6;
	s31 =	simm.s32 $0x3220  }
.LBB2_4:
0x107: {  	p0 =	sne.s32 s29, $0xFF  }
0x108: {  	[tilespmem:s26+$0x10] =	vst v5;
	s31 =	sadd.s32 $0x40, s31;
	s1 =	smov.u32 s29;
	s29 =	sadd.s32 $0x1, s29  }
0x109: {  	[tilespmem:s26+$0xFFFFFFE0] =	vst v2  }
0x10a: {  	v6 =	vld [tilespmem:s31+$0xFFFFFFF0];
	[tilespmem:s26+$0xFFFFFFF0] =	vst v4  }
0x10b: {  	v4 =	vld [tilespmem:s31+$0x10];
	[tilespmem:s26+$0x0] =	vst v3;
	s26 =	smov.u32 s31  }
0x10c: {  	v3 =	vld.idx.msk [tilespmem:v1+s12+$0x0], $0xffff  }
0x10d: {  	v1 =	vld [tilespmem:s31+$0xFFFFFFE0]  }
0x10e: {  	v7 =	vld [tilespmem:s31+$0x0]  }
.Ltmp1:
0x10f: {  	(pc) =	sbr.rel @p0 .LBB2_4-.Ltmp1, $3  }
0x110: {  	_ =	sdelay $0x1  }
0x111: {  	v5 =	vmul.f32 v4, v3;
	v2 =	vmul.f32 v1, v3  }
0x112: {  	v4 =	vmul.f32 v6, v3;
	v1 =	vmov s1;
	v3 =	vmul.f32 v7, v3  }
0x113: {  	[tilespmem:s26+$0x10] =	vst v5  }
0x114: {  	s1 =	sadd.s32 $0x40, s31;
	[tilespmem:s26+$0xFFFFFFE0] =	vst v2  }
0x115: {  	v2 =	vld [tilespmem:s1+$0xFFFFFFF0];
	[tilespmem:s26+$0xFFFFFFF0] =	vst v4  }
0x116: {  	v4 =	vld [tilespmem:s1+$0x10];
	[tilespmem:s26+$0x0] =	vst v3  }
0x117: {  	v1 =	vld.idx.msk [tilespmem:v1+s12+$0x0], $0xffff  }
0x118: {  	v3 =	vld [tilespmem:s1+$0xFFFFFFE0];
	_ =	sdelay $0x1  }
0x119: {  	v5 =	vld [tilespmem:s1+$0x0];
	_ =	sdelay $0x1  }
0x11a: {  	v4 =	vmul.f32 v4, v1  }
0x11b: {  	v3 =	vmul.f32 v3, v1  }
0x11c: {  	v2 =	vmul.f32 v2, v1;
	[tilespmem:s1+$0x10] =	vst v4  }
0x11d: {  	s22 =	sadd.s32 $0x1, s22;
	v1 =	vmul.f32 v5, v1;
	[tilespmem:s1+$0xFFFFFFE0] =	vst v3  }
0x11e: {  	p0 =	sne.s32 s22, s10;
	[tilespmem:s1+$0xFFFFFFF0] =	vst v2  }
.Ltmp2:
0x11f: {  	[tilespmem:s1+$0x0] =	vst v1;
	(pc) =	sbr.rel @p0 .LBB2_1-.Ltmp2, $4  }
0x120: {  	[hbm4b:s9+s3] =	stream.linear.scatter [tilespmem:s13], [sflag:$0x9], $0x4000, $0x38;
	[tilespmem:$0x17300] =	vst v63  }
0x121: {  	_ =	swait.ge [sflag:s17], $0x4000  }
0x122: {  	[sflag:s17] =	ssyncset.done $0x0  }
0x123: {  	[sflag:s17] =	ssyncadd.s32 $0xFFFFC000  }
0x124: {  	_ =	sfence.sel $0x180000  }
0x125: {  	[bflag:$0x0] =	sbarrier.arrive $0xFFFF  }
0x126: {  	_ =	strace $0x9000004A  }
0x127: {  	s0 =	stileid.u32;
	[bflag:$0x2] =	sbarrier.arrive $0xFFFF  }
0x128: {  	p0 =	sne.s32 s0, $0x0;
	s0 =	rddreg [dreg:$0x4]  }
0x129: {  	s0 =	sadd.s32 @!p0 $0x100000, s0  }
0x12a: {  	[sflag:s0] =	ssyncadd.tile.s32 @!p0 $0x1;
	_ =	shalt  }
.Lfunc_end2:
_tile_overlayer_lowered:
.L_overlay_start_2:
0x12b: {  	(tag) =	ssettag $0x2  }
0x12c: {  	s0 =	rddreg [dreg:$0x0];
	s2 =	stileid.u32  }
0x12d: {  	s1 =	rddreg [dreg:$0x1];
	p0 =	sne.s32 s2, $0x0  }
0x12e: {  	s3 =	rddreg [dreg:$0x2];
	[bflag:$0x3] =	sbarrier.arrive $0xFFFF;
	s2 =	simm.s32 @!p0 $0x1C0A  }
0x12f: {  	[timem:s3], [sflag:s2] =	dma.local @!p0 [hbm:s0], s1  }
0x130: {  	s0 =	simm.s32 @!p0 $0xA  }
0x131: {  	_ =	swait.ge @!p0 [sflag:s0], s1  }
0x132: {  	s1 =	ssub.s32 @!p0 $0x0, s1;
	[sflag:s0] =	ssyncset.done @!p0 $0x0  }
0x133: {  	[sflag:s0] =	ssyncadd.s32 @!p0 s1  }
0x134: {  	[bflag:$0x3] =	sbarrier.arrive $0xFFFF  }
0x135: {  	_ =	shalt  }

</sc_bundles>
